<compile_context>
chip_gen: v7x
topology: tpu7x:2x2x1
jax: 0.10.2.dev20260603
libtpu: 0.0.44.dev20260713+nightly
codegen_flags: <defaults>
</compile_context>

<pallas_src>
import functools

import jax
import jax.numpy as jnp
from jax import lax
from jax.experimental import pallas as pl
from jax.experimental.pallas import tpu as pltpu
from jax.experimental.pallas import tpu_sc as plsc

Z_DIM = 1024
HIDDEN = 2048
W = 64
RANK = 8
N_TOK = 2048
WR = W * RANK

BN = 512
NB = N_TOK // BN

_NC = 2
_NS = 16
_NW = _NC * _NS
_W_PER_WORKER = W // _NW


def _sc_transpose_body(b1_hbm, b2_hbm, o1_hbm, o2_hbm, in1, out1, in2, out2):
    wid = lax.axis_index("s") * _NC + lax.axis_index("c")
    lanes = lax.broadcasted_iota(jnp.int32, (16,), 0)

    for k in range(_W_PER_WORKER):
        w = wid * _W_PER_WORKER + k

        pltpu.sync_copy(b1_hbm.at[w], in1)

        def body1(c, _):
            for r in range(RANK):
                idx = (c * 16 + lanes) * RANK + r
                out1[r, pl.ds(c * 16, 16)] = plsc.load_gather(in1, [idx])
            return 0

        lax.fori_loop(0, HIDDEN // 16, body1, 0)
        pltpu.sync_copy(out1, o1_hbm.at[pl.ds(w * RANK, RANK), :])

        pltpu.sync_copy(b2_hbm.at[w], in2)

        def body2(c, _):
            for r in range(RANK):
                idx = (c * 16 + lanes) * RANK + r
                out2[r, pl.ds(c * 16, 16)] = plsc.load_gather(in2, [idx])
            return 0

        lax.fori_loop(0, Z_DIM // 16, body2, 0)
        pltpu.sync_copy(out2, o2_hbm.at[pl.ds(w * RANK, RANK), :])


def _sc_transpose(b1r, b2r):
    mesh = plsc.VectorSubcoreMesh(core_axis_name="c", subcore_axis_name="s")
    fn = pl.kernel(
        _sc_transpose_body,
        out_type=[
            jax.ShapeDtypeStruct((WR, HIDDEN), jnp.float32),
            jax.ShapeDtypeStruct((WR, Z_DIM), jnp.float32),
        ],
        mesh=mesh,
        compiler_params=pltpu.CompilerParams(needs_layout_passes=False),
        scratch_types=[
            pltpu.VMEM((HIDDEN * RANK,), jnp.float32),
            pltpu.VMEM((RANK, HIDDEN), jnp.float32),
            pltpu.VMEM((Z_DIM * RANK,), jnp.float32),
            pltpu.VMEM((RANK, Z_DIM), jnp.float32),
        ],
    )
    return fn(b1r, b2r)


def _body(idx_ref, z_ref, hpre_ref, opre_ref, a1_ref, b1_ref, a2_ref,
          b2_ref, out_ref, a1s, a2s, b1s, b2s):
    @pl.when(pl.program_id(0) == 0)
    def _prep():
        a1s[...] = a1_ref[...].astype(jnp.bfloat16).T
        a2s[...] = a2_ref[...].astype(jnp.bfloat16).T
        b1s[...] = b1_ref[...].astype(jnp.bfloat16)
        b2s[...] = b2_ref[...].astype(jnp.bfloat16)

    idx = idx_ref[0]
    col_expert = jax.lax.broadcasted_iota(jnp.int32, (BN, WR), 1) >> 3
    mask = col_expert == idx

    zb = z_ref[...].astype(jnp.bfloat16)
    t1 = jnp.dot(zb, a1s[...], preferred_element_type=jnp.float32)
    u1 = jnp.where(mask, t1, 0.0).astype(jnp.bfloat16)
    d1 = jnp.dot(u1, b1s[...], preferred_element_type=jnp.float32)

    hv = hpre_ref[...] + d1
    h = (hv * jax.lax.logistic(hv)).astype(jnp.bfloat16)

    t2 = jnp.dot(h, a2s[...], preferred_element_type=jnp.float32)
    u2 = jnp.where(mask, t2, 0.0).astype(jnp.bfloat16)
    d2 = jnp.dot(u2, b2s[...], preferred_element_type=jnp.float32)

    out_ref[...] = opre_ref[...] + d2


def kernel(z, a_idx, h_pre, out_pre, a1, b1, a2, b2):
    idx3 = a_idx.astype(jnp.int32).reshape(NB, BN, 1)
    a1r = a1.reshape(WR, Z_DIM)
    a2r = a2.reshape(WR, HIDDEN)
    b1t, b2t = _sc_transpose(b1.reshape(W, HIDDEN * RANK),
                             b2.reshape(W, Z_DIM * RANK))

    const = lambda shape: pl.BlockSpec(shape, lambda i: (0,) * len(shape))
    return pl.pallas_call(
        _body,
        grid=(NB,),
        in_specs=[
            pl.BlockSpec((1, BN, 1), lambda i: (i, 0, 0)),
            pl.BlockSpec((BN, Z_DIM), lambda i: (i, 0)),
            pl.BlockSpec((BN, HIDDEN), lambda i: (i, 0)),
            pl.BlockSpec((BN, Z_DIM), lambda i: (i, 0)),
            const((WR, Z_DIM)),
            const((WR, HIDDEN)),
            const((WR, HIDDEN)),
            const((WR, Z_DIM)),
        ],
        out_specs=pl.BlockSpec((BN, Z_DIM), lambda i: (i, 0)),
        out_shape=jax.ShapeDtypeStruct((N_TOK, Z_DIM), jnp.float32),
        scratch_shapes=[
            pltpu.VMEM((Z_DIM, WR), jnp.bfloat16),
            pltpu.VMEM((HIDDEN, WR), jnp.bfloat16),
            pltpu.VMEM((WR, HIDDEN), jnp.bfloat16),
            pltpu.VMEM((WR, Z_DIM), jnp.bfloat16),
        ],
    )(idx3, z, h_pre, out_pre, a1r, b1t, a2r, b2t)

# --- scband reference (transcript-rebuilt; emitter-appended) ---
"""Pipeline reference for scband-expert-lo-ra-48404281426529 (READ-ONLY COPY).

The authoritative reference and input builder live on the scoring server;
editing this copy changes nothing except your own understanding.
"""

import jax, jax.numpy as jnp
import numpy as np

Z_DIM = 1024
HIDDEN = 2048
W = 64
RANK = 8
N = 2048
SCALE = 1.0


def setup_inputs(seed: int = 0) -> dict:
    key = jax.random.key(seed)
    k_z, k_idx, k_h, k_o, k_a1, k_b1, k_a2, k_b2 = jax.random.split(key, 8)
    z = jax.random.normal(k_z, (N, Z_DIM), dtype=jnp.float32)
    a_idx = jax.random.randint(k_idx, (N,), 0, W, dtype=jnp.int64)
    h_pre = jax.random.normal(k_h, (N, HIDDEN), dtype=jnp.float32)
    out_pre = jax.random.normal(k_o, (N, Z_DIM), dtype=jnp.float32)
    a1 = jax.random.normal(k_a1, (W, RANK, Z_DIM), dtype=jnp.float32) * 0.02
    b1 = jax.random.normal(k_b1, (W, HIDDEN, RANK), dtype=jnp.float32) * 0.02
    a2 = jax.random.normal(k_a2, (W, RANK, HIDDEN), dtype=jnp.float32) * 0.02
    b2 = jax.random.normal(k_b2, (W, Z_DIM, RANK), dtype=jnp.float32) * 0.02
    return {"z": z, "a_idx": a_idx, "h_pre": h_pre, "out_pre": out_pre,
            "a1": a1, "b1": b1, "a2": a2, "b2": b2}


def reference(z, a_idx, h_pre, out_pre, a1, b1, a2, b2):
    dt = z.dtype
    A1 = jnp.take(a1, a_idx, axis=0).astype(dt)  # [N, r, d]
    B1 = jnp.take(b1, a_idx, axis=0).astype(dt)  # [N, h, r]
    t1 = jnp.einsum('nd,nrd->nr', z, A1)
    d1 = jnp.einsum('nr,nhr->nh', t1, B1) * SCALE
    h = jax.nn.silu(h_pre + d1).astype(dt)
    A2 = jnp.take(a2, a_idx, axis=0).astype(dt)  # [N, r, h]
    B2 = jnp.take(b2, a_idx, axis=0).astype(dt)  # [N, d, r]
    t2 = jnp.einsum('nh,nrh->nr', h, A2)
    d2 = jnp.einsum('nr,ndr->nd', t2, B2) * SCALE
    return (out_pre + d2).astype(dt)

if __name__ == "__main__":
    import jax
    _d = setup_inputs()
    print(jax.jit(kernel)(*tuple(_d.values())))

</pallas_src>

<mosaic_0001>
#map = affine_map<(d0, d1) -> (0, 0)>
module attributes {stable_mosaic.version = 14 : i64} {
  func.func @_sc_transpose_body(%arg0: i32, %arg1: i32, %arg2: memref<64x16384xf32, #tpu.memory_space<hbm>>, %arg3: memref<64x8192xf32, #tpu.memory_space<hbm>>, %arg4: memref<512x2048xf32, #tpu.memory_space<hbm>>, %arg5: memref<512x1024xf32, #tpu.memory_space<hbm>>, %arg6: memref<16384xf32, #tpu.memory_space<vmem>>, %arg7: memref<8x2048xf32, #tpu.memory_space<vmem>>, %arg8: memref<8192xf32, #tpu.memory_space<vmem>>, %arg9: memref<8x1024xf32, #tpu.memory_space<vmem>>) attributes {dimension_semantics = [#tpu.dimension_semantics<core_parallel>, #tpu.dimension_semantics<subcore_parallel>], iteration_bounds = array<i64: 2, 16>, scalar_prefetch = 0 : i64, scratch_operands = 4 : i64, tpu.core_type = #tpu.core_type<sc_vector_subcore>, window_params = [{transform_indices = #map}, {transform_indices = #map}, {transform_indices = #map}, {transform_indices = #map}]} {
    %mul3A = arith.constant 2 : i32
    %mul3A_0 = arith.muli %arg1, %mul3A : i32
    %add3A = arith.addi %mul3A_0, %arg0 : i32
    %iota3A = tpu.iota {dimensions = array<i32: 0>} : vector<16xi32>
    %mul3A_1 = arith.constant 2 : i32
    %mul3A_2 = arith.muli %add3A, %mul3A_1 : i32
    %add3A_3 = arith.constant 0 : i32
    %add3A_4 = arith.addi %mul3A_2, %add3A_3 : i32
    "tpu.region"() ({
      %run_scoped3A = tpu.sem_alloc : memref<!tpu.dma_semaphore, #tpu.memory_space<semaphore_mem>>
      %dma_start3A = arith.constant 0 : i32
      %dma_start3A_44 = tpu.memref_slice %arg2[%add3A_4, %dma_start3A] : memref<64x16384xf32, #tpu.memory_space<hbm>> -> memref<1x16384xf32, #tpu.memory_space<hbm>>
      %dma_start3A_45 = tpu.memref_squeeze %dma_start3A_44 : memref<1x16384xf32, #tpu.memory_space<hbm>> -> memref<16384xf32, #tpu.memory_space<hbm>>
      %dma_start3A_46 = arith.constant 0 : i32
      %dma_start3A_47 = tpu.memref_slice %arg2[%add3A_4, %dma_start3A_46] : memref<64x16384xf32, #tpu.memory_space<hbm>> -> memref<1x16384xf32, #tpu.memory_space<hbm>>
      %dma_start3A_48 = tpu.memref_squeeze %dma_start3A_47 : memref<1x16384xf32, #tpu.memory_space<hbm>> -> memref<16384xf32, #tpu.memory_space<hbm>>
      tpu.enqueue_dma source(%dma_start3A_48 : memref<16384xf32, #tpu.memory_space<hbm>>) target(%arg6 : memref<16384xf32, #tpu.memory_space<vmem>>) target_semaphore(%run_scoped3A : memref<!tpu.dma_semaphore, #tpu.memory_space<semaphore_mem>>)
      %dma_wait3A = arith.constant 0 : i32
      %dma_wait3A_49 = tpu.memref_slice %arg2[%add3A_4, %dma_wait3A] : memref<64x16384xf32, #tpu.memory_space<hbm>> -> memref<1x16384xf32, #tpu.memory_space<hbm>>
      %dma_wait3A_50 = tpu.memref_squeeze %dma_wait3A_49 : memref<1x16384xf32, #tpu.memory_space<hbm>> -> memref<16384xf32, #tpu.memory_space<hbm>>
      %dma_wait3A_51 = arith.constant 0 : i32
      %dma_wait3A_52 = tpu.memref_slice %arg2[%add3A_4, %dma_wait3A_51] : memref<64x16384xf32, #tpu.memory_space<hbm>> -> memref<1x16384xf32, #tpu.memory_space<hbm>>
      %dma_wait3A_53 = tpu.memref_squeeze %dma_wait3A_52 : memref<1x16384xf32, #tpu.memory_space<hbm>> -> memref<16384xf32, #tpu.memory_space<hbm>>
      tpu.wait_dma2 semaphore(%run_scoped3A : memref<!tpu.dma_semaphore, #tpu.memory_space<semaphore_mem>>) src(%dma_wait3A_53 : memref<16384xf32, #tpu.memory_space<hbm>>) dst(%arg6 : memref<16384xf32, #tpu.memory_space<vmem>>)
      tpu.yield
    }) : () -> ()
    %scan3A = arith.constant 0 : i32
    %scan3A_5 = arith.constant 0 : i32
    %scan3A_6 = arith.constant 128 : i32
    %scan3A_7 = arith.addi %scan3A_5, %scan3A_6 : i32
    %scan3A_8 = arith.constant 1 : i32
    %scan3A_9 = scf.for %scan3A_44 = %scan3A_5 to %scan3A_7 step %scan3A_8 iter_args(%scan3A_45 = %scan3A) -> (i32)  : i32 {
      %mul3A_46 = arith.constant 16 : i32
      %mul3A_47 = arith.muli %scan3A_44, %mul3A_46 : i32
      %add3A_48 = vector.broadcast %mul3A_47 : i32 to vector<16xi32>
      %add3A_49 = arith.addi %add3A_48, %iota3A : vector<16xi32>
      %mul3A_50 = arith.constant 8 : i32
      %mul3A_51 = vector.broadcast %mul3A_50 : i32 to vector<16xi32>
      %mul3A_52 = arith.muli %add3A_49, %mul3A_51 : vector<16xi32>
      %add3A_53 = arith.constant 0 : i32
      %add3A_54 = vector.broadcast %add3A_53 : i32 to vector<16xi32>
      %add3A_55 = arith.addi %mul3A_52, %add3A_54 : vector<16xi32>
      %gather3A = tpu.vector_load_idx %arg6[%add3A_55] : memref<16384xf32, #tpu.memory_space<vmem>>[vector<16xi32>], vector<16xf32>,
      %mul3A_56 = arith.constant 16 : i32
      %mul3A_57 = arith.muli %scan3A_44, %mul3A_56 : i32
      %swap3A = arith.constant 0 : i32
      %swap3A_58 = arith.index_cast %swap3A : i32 to index
      %swap3A_59 = arith.index_cast %mul3A_57 : i32 to index
      %swap3A_60 = tpu.vector_load %arg7[%swap3A_58, %swap3A_59] {strides = array<i32>} : memref<8x2048xf32, #tpu.memory_space<vmem>>, vector<16xf32>,
      tpu.vector_store %arg7[%swap3A_58, %swap3A_59], %gather3A {strides = array<i32>} : memref<8x2048xf32, #tpu.memory_space<vmem>>, vector<16xf32>,
      %mul3A_61 = arith.constant 16 : i32
      %mul3A_62 = arith.muli %scan3A_44, %mul3A_61 : i32
      %add3A_63 = vector.broadcast %mul3A_62 : i32 to vector<16xi32>
      %add3A_64 = arith.addi %add3A_63, %iota3A : vector<16xi32>
      %mul3A_65 = arith.constant 8 : i32
      %mul3A_66 = vector.broadcast %mul3A_65 : i32 to vector<16xi32>
      %mul3A_67 = arith.muli %add3A_64, %mul3A_66 : vector<16xi32>
      %add3A_68 = arith.constant 1 : i32
      %add3A_69 = vector.broadcast %add3A_68 : i32 to vector<16xi32>
      %add3A_70 = arith.addi %mul3A_67, %add3A_69 : vector<16xi32>
      %gather3A_71 = tpu.vector_load_idx %arg6[%add3A_70] : memref<16384xf32, #tpu.memory_space<vmem>>[vector<16xi32>], vector<16xf32>,
      %mul3A_72 = arith.constant 16 : i32
      %mul3A_73 = arith.muli %scan3A_44, %mul3A_72 : i32
      %swap3A_74 = arith.constant 1 : i32
      %swap3A_75 = arith.index_cast %swap3A_74 : i32 to index
      %swap3A_76 = arith.index_cast %mul3A_73 : i32 to index
      %swap3A_77 = tpu.vector_load %arg7[%swap3A_75, %swap3A_76] {strides = array<i32>} : memref<8x2048xf32, #tpu.memory_space<vmem>>, vector<16xf32>,
      tpu.vector_store %arg7[%swap3A_75, %swap3A_76], %gather3A_71 {strides = array<i32>} : memref<8x2048xf32, #tpu.memory_space<vmem>>, vector<16xf32>,
      %mul3A_78 = arith.constant 16 : i32
      %mul3A_79 = arith.muli %scan3A_44, %mul3A_78 : i32
      %add3A_80 = vector.broadcast %mul3A_79 : i32 to vector<16xi32>
      %add3A_81 = arith.addi %add3A_80, %iota3A : vector<16xi32>
      %mul3A_82 = arith.constant 8 : i32
      %mul3A_83 = vector.broadcast %mul3A_82 : i32 to vector<16xi32>
      %mul3A_84 = arith.muli %add3A_81, %mul3A_83 : vector<16xi32>
      %add3A_85 = arith.constant 2 : i32
      %add3A_86 = vector.broadcast %add3A_85 : i32 to vector<16xi32>
      %add3A_87 = arith.addi %mul3A_84, %add3A_86 : vector<16xi32>
      %gather3A_88 = tpu.vector_load_idx %arg6[%add3A_87] : memref<16384xf32, #tpu.memory_space<vmem>>[vector<16xi32>], vector<16xf32>,
      %mul3A_89 = arith.constant 16 : i32
      %mul3A_90 = arith.muli %scan3A_44, %mul3A_89 : i32
      %swap3A_91 = arith.constant 2 : i32
      %swap3A_92 = arith.index_cast %swap3A_91 : i32 to index
      %swap3A_93 = arith.index_cast %mul3A_90 : i32 to index
      %swap3A_94 = tpu.vector_load %arg7[%swap3A_92, %swap3A_93] {strides = array<i32>} : memref<8x2048xf32, #tpu.memory_space<vmem>>, vector<16xf32>,
      tpu.vector_store %arg7[%swap3A_92, %swap3A_93], %gather3A_88 {strides = array<i32>} : memref<8x2048xf32, #tpu.memory_space<vmem>>, vector<16xf32>,
      %mul3A_95 = arith.constant 16 : i32
      %mul3A_96 = arith.muli %scan3A_44, %mul3A_95 : i32
      %add3A_97 = vector.broadcast %mul3A_96 : i32 to vector<16xi32>
      %add3A_98 = arith.addi %add3A_97, %iota3A : vector<16xi32>
      %mul3A_99 = arith.constant 8 : i32
      %mul3A_100 = vector.broadcast %mul3A_99 : i32 to vector<16xi32>
      %mul3A_101 = arith.muli %add3A_98, %mul3A_100 : vector<16xi32>
      %add3A_102 = arith.constant 3 : i32
      %add3A_103 = vector.broadcast %add3A_102 : i32 to vector<16xi32>
      %add3A_104 = arith.addi %mul3A_101, %add3A_103 : vector<16xi32>
      %gather3A_105 = tpu.vector_load_idx %arg6[%add3A_104] : memref<16384xf32, #tpu.memory_space<vmem>>[vector<16xi32>], vector<16xf32>,
      %mul3A_106 = arith.constant 16 : i32
      %mul3A_107 = arith.muli %scan3A_44, %mul3A_106 : i32
      %swap3A_108 = arith.constant 3 : i32
      %swap3A_109 = arith.index_cast %swap3A_108 : i32 to index
      %swap3A_110 = arith.index_cast %mul3A_107 : i32 to index
      %swap3A_111 = tpu.vector_load %arg7[%swap3A_109, %swap3A_110] {strides = array<i32>} : memref<8x2048xf32, #tpu.memory_space<vmem>>, vector<16xf32>,
      tpu.vector_store %arg7[%swap3A_109, %swap3A_110], %gather3A_105 {strides = array<i32>} : memref<8x2048xf32, #tpu.memory_space<vmem>>, vector<16xf32>,
      %mul3A_112 = arith.constant 16 : i32
      %mul3A_113 = arith.muli %scan3A_44, %mul3A_112 : i32
      %add3A_114 = vector.broadcast %mul3A_113 : i32 to vector<16xi32>
      %add3A_115 = arith.addi %add3A_114, %iota3A : vector<16xi32>
      %mul3A_116 = arith.constant 8 : i32
      %mul3A_117 = vector.broadcast %mul3A_116 : i32 to vector<16xi32>
      %mul3A_118 = arith.muli %add3A_115, %mul3A_117 : vector<16xi32>
      %add3A_119 = arith.constant 4 : i32
      %add3A_120 = vector.broadcast %add3A_119 : i32 to vector<16xi32>
      %add3A_121 = arith.addi %mul3A_118, %add3A_120 : vector<16xi32>
      %gather3A_122 = tpu.vector_load_idx %arg6[%add3A_121] : memref<16384xf32, #tpu.memory_space<vmem>>[vector<16xi32>], vector<16xf32>,
      %mul3A_123 = arith.constant 16 : i32
      %mul3A_124 = arith.muli %scan3A_44, %mul3A_123 : i32
      %swap3A_125 = arith.constant 4 : i32
      %swap3A_126 = arith.index_cast %swap3A_125 : i32 to index
      %swap3A_127 = arith.index_cast %mul3A_124 : i32 to index
      %swap3A_128 = tpu.vector_load %arg7[%swap3A_126, %swap3A_127] {strides = array<i32>} : memref<8x2048xf32, #tpu.memory_space<vmem>>, vector<16xf32>,
      tpu.vector_store %arg7[%swap3A_126, %swap3A_127], %gather3A_122 {strides = array<i32>} : memref<8x2048xf32, #tpu.memory_space<vmem>>, vector<16xf32>,
      %mul3A_129 = arith.constant 16 : i32
      %mul3A_130 = arith.muli %scan3A_44, %mul3A_129 : i32
      %add3A_131 = vector.broadcast %mul3A_130 : i32 to vector<16xi32>
      %add3A_132 = arith.addi %add3A_131, %iota3A : vector<16xi32>
      %mul3A_133 = arith.constant 8 : i32
      %mul3A_134 = vector.broadcast %mul3A_133 : i32 to vector<16xi32>
      %mul3A_135 = arith.muli %add3A_132, %mul3A_134 : vector<16xi32>
      %add3A_136 = arith.constant 5 : i32
      %add3A_137 = vector.broadcast %add3A_136 : i32 to vector<16xi32>
      %add3A_138 = arith.addi %mul3A_135, %add3A_137 : vector<16xi32>
      %gather3A_139 = tpu.vector_load_idx %arg6[%add3A_138] : memref<16384xf32, #tpu.memory_space<vmem>>[vector<16xi32>], vector<16xf32>,
      %mul3A_140 = arith.constant 16 : i32
      %mul3A_141 = arith.muli %scan3A_44, %mul3A_140 : i32
      %swap3A_142 = arith.constant 5 : i32
      %swap3A_143 = arith.index_cast %swap3A_142 : i32 to index
      %swap3A_144 = arith.index_cast %mul3A_141 : i32 to index
      %swap3A_145 = tpu.vector_load %arg7[%swap3A_143, %swap3A_144] {strides = array<i32>} : memref<8x2048xf32, #tpu.memory_space<vmem>>, vector<16xf32>,
      tpu.vector_store %arg7[%swap3A_143, %swap3A_144], %gather3A_139 {strides = array<i32>} : memref<8x2048xf32, #tpu.memory_space<vmem>>, vector<16xf32>,
      %mul3A_146 = arith.constant 16 : i32
      %mul3A_147 = arith.muli %scan3A_44, %mul3A_146 : i32
      %add3A_148 = vector.broadcast %mul3A_147 : i32 to vector<16xi32>
      %add3A_149 = arith.addi %add3A_148, %iota3A : vector<16xi32>
      %mul3A_150 = arith.constant 8 : i32
      %mul3A_151 = vector.broadcast %mul3A_150 : i32 to vector<16xi32>
      %mul3A_152 = arith.muli %add3A_149, %mul3A_151 : vector<16xi32>
      %add3A_153 = arith.constant 6 : i32
      %add3A_154 = vector.broadcast %add3A_153 : i32 to vector<16xi32>
      %add3A_155 = arith.addi %mul3A_152, %add3A_154 : vector<16xi32>
      %gather3A_156 = tpu.vector_load_idx %arg6[%add3A_155] : memref<16384xf32, #tpu.memory_space<vmem>>[vector<16xi32>], vector<16xf32>,
      %mul3A_157 = arith.constant 16 : i32
      %mul3A_158 = arith.muli %scan3A_44, %mul3A_157 : i32
      %swap3A_159 = arith.constant 6 : i32
      %swap3A_160 = arith.index_cast %swap3A_159 : i32 to index
      %swap3A_161 = arith.index_cast %mul3A_158 : i32 to index
      %swap3A_162 = tpu.vector_load %arg7[%swap3A_160, %swap3A_161] {strides = array<i32>} : memref<8x2048xf32, #tpu.memory_space<vmem>>, vector<16xf32>,
      tpu.vector_store %arg7[%swap3A_160, %swap3A_161], %gather3A_156 {strides = array<i32>} : memref<8x2048xf32, #tpu.memory_space<vmem>>, vector<16xf32>,
      %mul3A_163 = arith.constant 16 : i32
      %mul3A_164 = arith.muli %scan3A_44, %mul3A_163 : i32
      %add3A_165 = vector.broadcast %mul3A_164 : i32 to vector<16xi32>
      %add3A_166 = arith.addi %add3A_165, %iota3A : vector<16xi32>
      %mul3A_167 = arith.constant 8 : i32
      %mul3A_168 = vector.broadcast %mul3A_167 : i32 to vector<16xi32>
      %mul3A_169 = arith.muli %add3A_166, %mul3A_168 : vector<16xi32>
      %add3A_170 = arith.constant 7 : i32
      %add3A_171 = vector.broadcast %add3A_170 : i32 to vector<16xi32>
      %add3A_172 = arith.addi %mul3A_169, %add3A_171 : vector<16xi32>
      %gather3A_173 = tpu.vector_load_idx %arg6[%add3A_172] : memref<16384xf32, #tpu.memory_space<vmem>>[vector<16xi32>], vector<16xf32>,
      %mul3A_174 = arith.constant 16 : i32
      %mul3A_175 = arith.muli %scan3A_44, %mul3A_174 : i32
      %swap3A_176 = arith.constant 7 : i32
      %swap3A_177 = arith.index_cast %swap3A_176 : i32 to index
      %swap3A_178 = arith.index_cast %mul3A_175 : i32 to index
      %swap3A_179 = tpu.vector_load %arg7[%swap3A_177, %swap3A_178] {strides = array<i32>} : memref<8x2048xf32, #tpu.memory_space<vmem>>, vector<16xf32>,
      tpu.vector_store %arg7[%swap3A_177, %swap3A_178], %gather3A_173 {strides = array<i32>} : memref<8x2048xf32, #tpu.memory_space<vmem>>, vector<16xf32>,
      %scan3A_180 = arith.constant 0 : i32
      scf.yield %scan3A_180 : i32
    }
    %scan3A_10 = arith.constant 128 : i32
    %mul3A_11 = arith.constant 8 : i32
    %mul3A_12 = arith.muli %add3A_4, %mul3A_11 : i32
    "tpu.region"() ({
      %run_scoped3A = tpu.sem_alloc : memref<!tpu.dma_semaphore, #tpu.memory_space<semaphore_mem>>
      %dma_start3A = arith.constant 0 : i32
      %dma_start3A_44 = tpu.memref_slice %arg4[%mul3A_12, %dma_start3A] : memref<512x2048xf32, #tpu.memory_space<hbm>> -> memref<8x2048xf32, #tpu.memory_space<hbm>>
      %dma_start3A_45 = arith.constant 0 : i32
      %dma_start3A_46 = tpu.memref_slice %arg4[%mul3A_12, %dma_start3A_45] : memref<512x2048xf32, #tpu.memory_space<hbm>> -> memref<8x2048xf32, #tpu.memory_space<hbm>>
      tpu.enqueue_dma source(%arg7 : memref<8x2048xf32, #tpu.memory_space<vmem>>) target(%dma_start3A_46 : memref<8x2048xf32, #tpu.memory_space<hbm>>) target_semaphore(%run_scoped3A : memref<!tpu.dma_semaphore, #tpu.memory_space<semaphore_mem>>)
      %dma_wait3A = arith.constant 0 : i32
      %dma_wait3A_47 = tpu.memref_slice %arg4[%mul3A_12, %dma_wait3A] : memref<512x2048xf32, #tpu.memory_space<hbm>> -> memref<8x2048xf32, #tpu.memory_space<hbm>>
      %dma_wait3A_48 = arith.constant 0 : i32
      %dma_wait3A_49 = tpu.memref_slice %arg4[%mul3A_12, %dma_wait3A_48] : memref<512x2048xf32, #tpu.memory_space<hbm>> -> memref<8x2048xf32, #tpu.memory_space<hbm>>
      tpu.wait_dma2 semaphore(%run_scoped3A : memref<!tpu.dma_semaphore, #tpu.memory_space<semaphore_mem>>) src(%arg7 : memref<8x2048xf32, #tpu.memory_space<vmem>>) dst(%dma_wait3A_49 : memref<8x2048xf32, #tpu.memory_space<hbm>>)
      tpu.yield
    }) : () -> ()
    "tpu.region"() ({
      %run_scoped3A = tpu.sem_alloc : memref<!tpu.dma_semaphore, #tpu.memory_space<semaphore_mem>>
      %dma_start3A = arith.constant 0 : i32
      %dma_start3A_44 = tpu.memref_slice %arg3[%add3A_4, %dma_start3A] : memref<64x8192xf32, #tpu.memory_space<hbm>> -> memref<1x8192xf32, #tpu.memory_space<hbm>>
      %dma_start3A_45 = tpu.memref_squeeze %dma_start3A_44 : memref<1x8192xf32, #tpu.memory_space<hbm>> -> memref<8192xf32, #tpu.memory_space<hbm>>
      %dma_start3A_46 = arith.constant 0 : i32
      %dma_start3A_47 = tpu.memref_slice %arg3[%add3A_4, %dma_start3A_46] : memref<64x8192xf32, #tpu.memory_space<hbm>> -> memref<1x8192xf32, #tpu.memory_space<hbm>>
      %dma_start3A_48 = tpu.memref_squeeze %dma_start3A_47 : memref<1x8192xf32, #tpu.memory_space<hbm>> -> memref<8192xf32, #tpu.memory_space<hbm>>
      tpu.enqueue_dma source(%dma_start3A_48 : memref<8192xf32, #tpu.memory_space<hbm>>) target(%arg8 : memref<8192xf32, #tpu.memory_space<vmem>>) target_semaphore(%run_scoped3A : memref<!tpu.dma_semaphore, #tpu.memory_space<semaphore_mem>>)
      %dma_wait3A = arith.constant 0 : i32
      %dma_wait3A_49 = tpu.memref_slice %arg3[%add3A_4, %dma_wait3A] : memref<64x8192xf32, #tpu.memory_space<hbm>> -> memref<1x8192xf32, #tpu.memory_space<hbm>>
      %dma_wait3A_50 = tpu.memref_squeeze %dma_wait3A_49 : memref<1x8192xf32, #tpu.memory_space<hbm>> -> memref<8192xf32, #tpu.memory_space<hbm>>
      %dma_wait3A_51 = arith.constant 0 : i32
      %dma_wait3A_52 = tpu.memref_slice %arg3[%add3A_4, %dma_wait3A_51] : memref<64x8192xf32, #tpu.memory_space<hbm>> -> memref<1x8192xf32, #tpu.memory_space<hbm>>
      %dma_wait3A_53 = tpu.memref_squeeze %dma_wait3A_52 : memref<1x8192xf32, #tpu.memory_space<hbm>> -> memref<8192xf32, #tpu.memory_space<hbm>>
      tpu.wait_dma2 semaphore(%run_scoped3A : memref<!tpu.dma_semaphore, #tpu.memory_space<semaphore_mem>>) src(%dma_wait3A_53 : memref<8192xf32, #tpu.memory_space<hbm>>) dst(%arg8 : memref<8192xf32, #tpu.memory_space<vmem>>)
      tpu.yield
    }) : () -> ()
    %scan3A_13 = arith.constant 0 : i32
    %scan3A_14 = arith.constant 0 : i32
    %scan3A_15 = arith.constant 64 : i32
    %scan3A_16 = arith.addi %scan3A_14, %scan3A_15 : i32
    %scan3A_17 = arith.constant 1 : i32
    %scan3A_18 = scf.for %scan3A_44 = %scan3A_14 to %scan3A_16 step %scan3A_17 iter_args(%scan3A_45 = %scan3A_13) -> (i32)  : i32 {
      %mul3A_46 = arith.constant 16 : i32
      %mul3A_47 = arith.muli %scan3A_44, %mul3A_46 : i32
      %add3A_48 = vector.broadcast %mul3A_47 : i32 to vector<16xi32>
      %add3A_49 = arith.addi %add3A_48, %iota3A : vector<16xi32>
      %mul3A_50 = arith.constant 8 : i32
      %mul3A_51 = vector.broadcast %mul3A_50 : i32 to vector<16xi32>
      %mul3A_52 = arith.muli %add3A_49, %mul3A_51 : vector<16xi32>
      %add3A_53 = arith.constant 0 : i32
      %add3A_54 = vector.broadcast %add3A_53 : i32 to vector<16xi32>
      %add3A_55 = arith.addi %mul3A_52, %add3A_54 : vector<16xi32>
      %gather3A = tpu.vector_load_idx %arg8[%add3A_55] : memref<8192xf32, #tpu.memory_space<vmem>>[vector<16xi32>], vector<16xf32>,
      %mul3A_56 = arith.constant 16 : i32
      %mul3A_57 = arith.muli %scan3A_44, %mul3A_56 : i32
      %swap3A = arith.constant 0 : i32
      %swap3A_58 = arith.index_cast %swap3A : i32 to index
      %swap3A_59 = arith.index_cast %mul3A_57 : i32 to index
      %swap3A_60 = tpu.vector_load %arg9[%swap3A_58, %swap3A_59] {strides = array<i32>} : memref<8x1024xf32, #tpu.memory_space<vmem>>, vector<16xf32>,
      tpu.vector_store %arg9[%swap3A_58, %swap3A_59], %gather3A {strides = array<i32>} : memref<8x1024xf32, #tpu.memory_space<vmem>>, vector<16xf32>,
      %mul3A_61 = arith.constant 16 : i32
      %mul3A_62 = arith.muli %scan3A_44, %mul3A_61 : i32
      %add3A_63 = vector.broadcast %mul3A_62 : i32 to vector<16xi32>
      %add3A_64 = arith.addi %add3A_63, %iota3A : vector<16xi32>
      %mul3A_65 = arith.constant 8 : i32
      %mul3A_66 = vector.broadcast %mul3A_65 : i32 to vector<16xi32>
      %mul3A_67 = arith.muli %add3A_64, %mul3A_66 : vector<16xi32>
      %add3A_68 = arith.constant 1 : i32
      %add3A_69 = vector.broadcast %add3A_68 : i32 to vector<16xi32>
      %add3A_70 = arith.addi %mul3A_67, %add3A_69 : vector<16xi32>
      %gather3A_71 = tpu.vector_load_idx %arg8[%add3A_70] : memref<8192xf32, #tpu.memory_space<vmem>>[vector<16xi32>], vector<16xf32>,
      %mul3A_72 = arith.constant 16 : i32
      %mul3A_73 = arith.muli %scan3A_44, %mul3A_72 : i32
      %swap3A_74 = arith.constant 1 : i32
      %swap3A_75 = arith.index_cast %swap3A_74 : i32 to index
      %swap3A_76 = arith.index_cast %mul3A_73 : i32 to index
      %swap3A_77 = tpu.vector_load %arg9[%swap3A_75, %swap3A_76] {strides = array<i32>} : memref<8x1024xf32, #tpu.memory_space<vmem>>, vector<16xf32>,
      tpu.vector_store %arg9[%swap3A_75, %swap3A_76], %gather3A_71 {strides = array<i32>} : memref<8x1024xf32, #tpu.memory_space<vmem>>, vector<16xf32>,
      %mul3A_78 = arith.constant 16 : i32
      %mul3A_79 = arith.muli %scan3A_44, %mul3A_78 : i32
      %add3A_80 = vector.broadcast %mul3A_79 : i32 to vector<16xi32>
      %add3A_81 = arith.addi %add3A_80, %iota3A : vector<16xi32>
      %mul3A_82 = arith.constant 8 : i32
      %mul3A_83 = vector.broadcast %mul3A_82 : i32 to vector<16xi32>
      %mul3A_84 = arith.muli %add3A_81, %mul3A_83 : vector<16xi32>
      %add3A_85 = arith.constant 2 : i32
      %add3A_86 = vector.broadcast %add3A_85 : i32 to vector<16xi32>
      %add3A_87 = arith.addi %mul3A_84, %add3A_86 : vector<16xi32>
      %gather3A_88 = tpu.vector_load_idx %arg8[%add3A_87] : memref<8192xf32, #tpu.memory_space<vmem>>[vector<16xi32>], vector<16xf32>,
      %mul3A_89 = arith.constant 16 : i32
      %mul3A_90 = arith.muli %scan3A_44, %mul3A_89 : i32
      %swap3A_91 = arith.constant 2 : i32
      %swap3A_92 = arith.index_cast %swap3A_91 : i32 to index
      %swap3A_93 = arith.index_cast %mul3A_90 : i32 to index
      %swap3A_94 = tpu.vector_load %arg9[%swap3A_92, %swap3A_93] {strides = array<i32>} : memref<8x1024xf32, #tpu.memory_space<vmem>>, vector<16xf32>,
      tpu.vector_store %arg9[%swap3A_92, %swap3A_93], %gather3A_88 {strides = array<i32>} : memref<8x1024xf32, #tpu.memory_space<vmem>>, vector<16xf32>,
      %mul3A_95 = arith.constant 16 : i32
      %mul3A_96 = arith.muli %scan3A_44, %mul3A_95 : i32
      %add3A_97 = vector.broadcast %mul3A_96 : i32 to vector<16xi32>
      %add3A_98 = arith.addi %add3A_97, %iota3A : vector<16xi32>
      %mul3A_99 = arith.constant 8 : i32
      %mul3A_100 = vector.broadcast %mul3A_99 : i32 to vector<16xi32>
      %mul3A_101 = arith.muli %add3A_98, %mul3A_100 : vector<16xi32>
      %add3A_102 = arith.constant 3 : i32
      %add3A_103 = vector.broadcast %add3A_102 : i32 to vector<16xi32>
      %add3A_104 = arith.addi %mul3A_101, %add3A_103 : vector<16xi32>
      %gather3A_105 = tpu.vector_load_idx %arg8[%add3A_104] : memref<8192xf32, #tpu.memory_space<vmem>>[vector<16xi32>], vector<16xf32>,
      %mul3A_106 = arith.constant 16 : i32
      %mul3A_107 = arith.muli %scan3A_44, %mul3A_106 : i32
      %swap3A_108 = arith.constant 3 : i32
      %swap3A_109 = arith.index_cast %swap3A_108 : i32 to index
      %swap3A_110 = arith.index_cast %mul3A_107 : i32 to index
      %swap3A_111 = tpu.vector_load %arg9[%swap3A_109, %swap3A_110] {strides = array<i32>} : memref<8x1024xf32, #tpu.memory_space<vmem>>, vector<16xf32>,
      tpu.vector_store %arg9[%swap3A_109, %swap3A_110], %gather3A_105 {strides = array<i32>} : memref<8x1024xf32, #tpu.memory_space<vmem>>, vector<16xf32>,
      %mul3A_112 = arith.constant 16 : i32
      %mul3A_113 = arith.muli %scan3A_44, %mul3A_112 : i32
      %add3A_114 = vector.broadcast %mul3A_113 : i32 to vector<16xi32>
      %add3A_115 = arith.addi %add3A_114, %iota3A : vector<16xi32>
      %mul3A_116 = arith.constant 8 : i32
      %mul3A_117 = vector.broadcast %mul3A_116 : i32 to vector<16xi32>
      %mul3A_118 = arith.muli %add3A_115, %mul3A_117 : vector<16xi32>
      %add3A_119 = arith.constant 4 : i32
      %add3A_120 = vector.broadcast %add3A_119 : i32 to vector<16xi32>
      %add3A_121 = arith.addi %mul3A_118, %add3A_120 : vector<16xi32>
      %gather3A_122 = tpu.vector_load_idx %arg8[%add3A_121] : memref<8192xf32, #tpu.memory_space<vmem>>[vector<16xi32>], vector<16xf32>,
      %mul3A_123 = arith.constant 16 : i32
      %mul3A_124 = arith.muli %scan3A_44, %mul3A_123 : i32
      %swap3A_125 = arith.constant 4 : i32
      %swap3A_126 = arith.index_cast %swap3A_125 : i32 to index
      %swap3A_127 = arith.index_cast %mul3A_124 : i32 to index
      %swap3A_128 = tpu.vector_load %arg9[%swap3A_126, %swap3A_127] {strides = array<i32>} : memref<8x1024xf32, #tpu.memory_space<vmem>>, vector<16xf32>,
      tpu.vector_store %arg9[%swap3A_126, %swap3A_127], %gather3A_122 {strides = array<i32>} : memref<8x1024xf32, #tpu.memory_space<vmem>>, vector<16xf32>,
      %mul3A_129 = arith.constant 16 : i32
      %mul3A_130 = arith.muli %scan3A_44, %mul3A_129 : i32
      %add3A_131 = vector.broadcast %mul3A_130 : i32 to vector<16xi32>
      %add3A_132 = arith.addi %add3A_131, %iota3A : vector<16xi32>
      %mul3A_133 = arith.constant 8 : i32
      %mul3A_134 = vector.broadcast %mul3A_133 : i32 to vector<16xi32>
      %mul3A_135 = arith.muli %add3A_132, %mul3A_134 : vector<16xi32>
      %add3A_136 = arith.constant 5 : i32
      %add3A_137 = vector.broadcast %add3A_136 : i32 to vector<16xi32>
      %add3A_138 = arith.addi %mul3A_135, %add3A_137 : vector<16xi32>
      %gather3A_139 = tpu.vector_load_idx %arg8[%add3A_138] : memref<8192xf32, #tpu.memory_space<vmem>>[vector<16xi32>], vector<16xf32>,
      %mul3A_140 = arith.constant 16 : i32
      %mul3A_141 = arith.muli %scan3A_44, %mul3A_140 : i32
      %swap3A_142 = arith.constant 5 : i32
      %swap3A_143 = arith.index_cast %swap3A_142 : i32 to index
      %swap3A_144 = arith.index_cast %mul3A_141 : i32 to index
      %swap3A_145 = tpu.vector_load %arg9[%swap3A_143, %swap3A_144] {strides = array<i32>} : memref<8x1024xf32, #tpu.memory_space<vmem>>, vector<16xf32>,
      tpu.vector_store %arg9[%swap3A_143, %swap3A_144], %gather3A_139 {strides = array<i32>} : memref<8x1024xf32, #tpu.memory_space<vmem>>, vector<16xf32>,
      %mul3A_146 = arith.constant 16 : i32
      %mul3A_147 = arith.muli %scan3A_44, %mul3A_146 : i32
      %add3A_148 = vector.broadcast %mul3A_147 : i32 to vector<16xi32>
      %add3A_149 = arith.addi %add3A_148, %iota3A : vector<16xi32>
      %mul3A_150 = arith.constant 8 : i32
      %mul3A_151 = vector.broadcast %mul3A_150 : i32 to vector<16xi32>
      %mul3A_152 = arith.muli %add3A_149, %mul3A_151 : vector<16xi32>
      %add3A_153 = arith.constant 6 : i32
      %add3A_154 = vector.broadcast %add3A_153 : i32 to vector<16xi32>
      %add3A_155 = arith.addi %mul3A_152, %add3A_154 : vector<16xi32>
      %gather3A_156 = tpu.vector_load_idx %arg8[%add3A_155] : memref<8192xf32, #tpu.memory_space<vmem>>[vector<16xi32>], vector<16xf32>,
      %mul3A_157 = arith.constant 16 : i32
      %mul3A_158 = arith.muli %scan3A_44, %mul3A_157 : i32
      %swap3A_159 = arith.constant 6 : i32
      %swap3A_160 = arith.index_cast %swap3A_159 : i32 to index
      %swap3A_161 = arith.index_cast %mul3A_158 : i32 to index
      %swap3A_162 = tpu.vector_load %arg9[%swap3A_160, %swap3A_161] {strides = array<i32>} : memref<8x1024xf32, #tpu.memory_space<vmem>>, vector<16xf32>,
      tpu.vector_store %arg9[%swap3A_160, %swap3A_161], %gather3A_156 {strides = array<i32>} : memref<8x1024xf32, #tpu.memory_space<vmem>>, vector<16xf32>,
      %mul3A_163 = arith.constant 16 : i32
      %mul3A_164 = arith.muli %scan3A_44, %mul3A_163 : i32
      %add3A_165 = vector.broadcast %mul3A_164 : i32 to vector<16xi32>
      %add3A_166 = arith.addi %add3A_165, %iota3A : vector<16xi32>
      %mul3A_167 = arith.constant 8 : i32
      %mul3A_168 = vector.broadcast %mul3A_167 : i32 to vector<16xi32>
      %mul3A_169 = arith.muli %add3A_166, %mul3A_168 : vector<16xi32>
      %add3A_170 = arith.constant 7 : i32
      %add3A_171 = vector.broadcast %add3A_170 : i32 to vector<16xi32>
      %add3A_172 = arith.addi %mul3A_169, %add3A_171 : vector<16xi32>
      %gather3A_173 = tpu.vector_load_idx %arg8[%add3A_172] : memref<8192xf32, #tpu.memory_space<vmem>>[vector<16xi32>], vector<16xf32>,
      %mul3A_174 = arith.constant 16 : i32
      %mul3A_175 = arith.muli %scan3A_44, %mul3A_174 : i32
      %swap3A_176 = arith.constant 7 : i32
      %swap3A_177 = arith.index_cast %swap3A_176 : i32 to index
      %swap3A_178 = arith.index_cast %mul3A_175 : i32 to index
      %swap3A_179 = tpu.vector_load %arg9[%swap3A_177, %swap3A_178] {strides = array<i32>} : memref<8x1024xf32, #tpu.memory_space<vmem>>, vector<16xf32>,
      tpu.vector_store %arg9[%swap3A_177, %swap3A_178], %gather3A_173 {strides = array<i32>} : memref<8x1024xf32, #tpu.memory_space<vmem>>, vector<16xf32>,
      %scan3A_180 = arith.constant 0 : i32
      scf.yield %scan3A_180 : i32
    }
    %scan3A_19 = arith.constant 64 : i32
    %mul3A_20 = arith.constant 8 : i32
    %mul3A_21 = arith.muli %add3A_4, %mul3A_20 : i32
    "tpu.region"() ({
      %run_scoped3A = tpu.sem_alloc : memref<!tpu.dma_semaphore, #tpu.memory_space<semaphore_mem>>
      %dma_start3A = arith.constant 0 : i32
      %dma_start3A_44 = tpu.memref_slice %arg5[%mul3A_21, %dma_start3A] : memref<512x1024xf32, #tpu.memory_space<hbm>> -> memref<8x1024xf32, #tpu.memory_space<hbm>>
      %dma_start3A_45 = arith.constant 0 : i32
      %dma_start3A_46 = tpu.memref_slice %arg5[%mul3A_21, %dma_start3A_45] : memref<512x1024xf32, #tpu.memory_space<hbm>> -> memref<8x1024xf32, #tpu.memory_space<hbm>>
      tpu.enqueue_dma source(%arg9 : memref<8x1024xf32, #tpu.memory_space<vmem>>) target(%dma_start3A_46 : memref<8x1024xf32, #tpu.memory_space<hbm>>) target_semaphore(%run_scoped3A : memref<!tpu.dma_semaphore, #tpu.memory_space<semaphore_mem>>)
      %dma_wait3A = arith.constant 0 : i32
      %dma_wait3A_47 = tpu.memref_slice %arg5[%mul3A_21, %dma_wait3A] : memref<512x1024xf32, #tpu.memory_space<hbm>> -> memref<8x1024xf32, #tpu.memory_space<hbm>>
      %dma_wait3A_48 = arith.constant 0 : i32
      %dma_wait3A_49 = tpu.memref_slice %arg5[%mul3A_21, %dma_wait3A_48] : memref<512x1024xf32, #tpu.memory_space<hbm>> -> memref<8x1024xf32, #tpu.memory_space<hbm>>
      tpu.wait_dma2 semaphore(%run_scoped3A : memref<!tpu.dma_semaphore, #tpu.memory_space<semaphore_mem>>) src(%arg9 : memref<8x1024xf32, #tpu.memory_space<vmem>>) dst(%dma_wait3A_49 : memref<8x1024xf32, #tpu.memory_space<hbm>>)
      tpu.yield
    }) : () -> ()
    %mul3A_22 = arith.constant 2 : i32
    %mul3A_23 = arith.muli %add3A, %mul3A_22 : i32
    %add3A_24 = arith.constant 1 : i32
    %add3A_25 = arith.addi %mul3A_23, %add3A_24 : i32
    "tpu.region"() ({
      %run_scoped3A = tpu.sem_alloc : memref<!tpu.dma_semaphore, #tpu.memory_space<semaphore_mem>>
      %dma_start3A = arith.constant 0 : i32
      %dma_start3A_44 = tpu.memref_slice %arg2[%add3A_25, %dma_start3A] : memref<64x16384xf32, #tpu.memory_space<hbm>> -> memref<1x16384xf32, #tpu.memory_space<hbm>>
      %dma_start3A_45 = tpu.memref_squeeze %dma_start3A_44 : memref<1x16384xf32, #tpu.memory_space<hbm>> -> memref<16384xf32, #tpu.memory_space<hbm>>
      %dma_start3A_46 = arith.constant 0 : i32
      %dma_start3A_47 = tpu.memref_slice %arg2[%add3A_25, %dma_start3A_46] : memref<64x16384xf32, #tpu.memory_space<hbm>> -> memref<1x16384xf32, #tpu.memory_space<hbm>>
      %dma_start3A_48 = tpu.memref_squeeze %dma_start3A_47 : memref<1x16384xf32, #tpu.memory_space<hbm>> -> memref<16384xf32, #tpu.memory_space<hbm>>
      tpu.enqueue_dma source(%dma_start3A_48 : memref<16384xf32, #tpu.memory_space<hbm>>) target(%arg6 : memref<16384xf32, #tpu.memory_space<vmem>>) target_semaphore(%run_scoped3A : memref<!tpu.dma_semaphore, #tpu.memory_space<semaphore_mem>>)
      %dma_wait3A = arith.constant 0 : i32
      %dma_wait3A_49 = tpu.memref_slice %arg2[%add3A_25, %dma_wait3A] : memref<64x16384xf32, #tpu.memory_space<hbm>> -> memref<1x16384xf32, #tpu.memory_space<hbm>>
      %dma_wait3A_50 = tpu.memref_squeeze %dma_wait3A_49 : memref<1x16384xf32, #tpu.memory_space<hbm>> -> memref<16384xf32, #tpu.memory_space<hbm>>
      %dma_wait3A_51 = arith.constant 0 : i32
      %dma_wait3A_52 = tpu.memref_slice %arg2[%add3A_25, %dma_wait3A_51] : memref<64x16384xf32, #tpu.memory_space<hbm>> -> memref<1x16384xf32, #tpu.memory_space<hbm>>
      %dma_wait3A_53 = tpu.memref_squeeze %dma_wait3A_52 : memref<1x16384xf32, #tpu.memory_space<hbm>> -> memref<16384xf32, #tpu.memory_space<hbm>>
      tpu.wait_dma2 semaphore(%run_scoped3A : memref<!tpu.dma_semaphore, #tpu.memory_space<semaphore_mem>>) src(%dma_wait3A_53 : memref<16384xf32, #tpu.memory_space<hbm>>) dst(%arg6 : memref<16384xf32, #tpu.memory_space<vmem>>)
      tpu.yield
    }) : () -> ()
    %scan3A_26 = arith.constant 0 : i32
    %scan3A_27 = arith.constant 0 : i32
    %scan3A_28 = arith.constant 128 : i32
    %scan3A_29 = arith.addi %scan3A_27, %scan3A_28 : i32
    %scan3A_30 = arith.constant 1 : i32
    %scan3A_31 = scf.for %scan3A_44 = %scan3A_27 to %scan3A_29 step %scan3A_30 iter_args(%scan3A_45 = %scan3A_26) -> (i32)  : i32 {
      %mul3A_46 = arith.constant 16 : i32
      %mul3A_47 = arith.muli %scan3A_44, %mul3A_46 : i32
      %add3A_48 = vector.broadcast %mul3A_47 : i32 to vector<16xi32>
      %add3A_49 = arith.addi %add3A_48, %iota3A : vector<16xi32>
      %mul3A_50 = arith.constant 8 : i32
      %mul3A_51 = vector.broadcast %mul3A_50 : i32 to vector<16xi32>
      %mul3A_52 = arith.muli %add3A_49, %mul3A_51 : vector<16xi32>
      %add3A_53 = arith.constant 0 : i32
      %add3A_54 = vector.broadcast %add3A_53 : i32 to vector<16xi32>
      %add3A_55 = arith.addi %mul3A_52, %add3A_54 : vector<16xi32>
      %gather3A = tpu.vector_load_idx %arg6[%add3A_55] : memref<16384xf32, #tpu.memory_space<vmem>>[vector<16xi32>], vector<16xf32>,
      %mul3A_56 = arith.constant 16 : i32
      %mul3A_57 = arith.muli %scan3A_44, %mul3A_56 : i32
      %swap3A = arith.constant 0 : i32
      %swap3A_58 = arith.index_cast %swap3A : i32 to index
      %swap3A_59 = arith.index_cast %mul3A_57 : i32 to index
      %swap3A_60 = tpu.vector_load %arg7[%swap3A_58, %swap3A_59] {strides = array<i32>} : memref<8x2048xf32, #tpu.memory_space<vmem>>, vector<16xf32>,
      tpu.vector_store %arg7[%swap3A_58, %swap3A_59], %gather3A {strides = array<i32>} : memref<8x2048xf32, #tpu.memory_space<vmem>>, vector<16xf32>,
      %mul3A_61 = arith.constant 16 : i32
      %mul3A_62 = arith.muli %scan3A_44, %mul3A_61 : i32
      %add3A_63 = vector.broadcast %mul3A_62 : i32 to vector<16xi32>
      %add3A_64 = arith.addi %add3A_63, %iota3A : vector<16xi32>
      %mul3A_65 = arith.constant 8 : i32
      %mul3A_66 = vector.broadcast %mul3A_65 : i32 to vector<16xi32>
      %mul3A_67 = arith.muli %add3A_64, %mul3A_66 : vector<16xi32>
      %add3A_68 = arith.constant 1 : i32
      %add3A_69 = vector.broadcast %add3A_68 : i32 to vector<16xi32>
      %add3A_70 = arith.addi %mul3A_67, %add3A_69 : vector<16xi32>
      %gather3A_71 = tpu.vector_load_idx %arg6[%add3A_70] : memref<16384xf32, #tpu.memory_space<vmem>>[vector<16xi32>], vector<16xf32>,
      %mul3A_72 = arith.constant 16 : i32
      %mul3A_73 = arith.muli %scan3A_44, %mul3A_72 : i32
      %swap3A_74 = arith.constant 1 : i32
      %swap3A_75 = arith.index_cast %swap3A_74 : i32 to index
      %swap3A_76 = arith.index_cast %mul3A_73 : i32 to index
      %swap3A_77 = tpu.vector_load %arg7[%swap3A_75, %swap3A_76] {strides = array<i32>} : memref<8x2048xf32, #tpu.memory_space<vmem>>, vector<16xf32>,
      tpu.vector_store %arg7[%swap3A_75, %swap3A_76], %gather3A_71 {strides = array<i32>} : memref<8x2048xf32, #tpu.memory_space<vmem>>, vector<16xf32>,
      %mul3A_78 = arith.constant 16 : i32
      %mul3A_79 = arith.muli %scan3A_44, %mul3A_78 : i32
      %add3A_80 = vector.broadcast %mul3A_79 : i32 to vector<16xi32>
      %add3A_81 = arith.addi %add3A_80, %iota3A : vector<16xi32>
      %mul3A_82 = arith.constant 8 : i32
      %mul3A_83 = vector.broadcast %mul3A_82 : i32 to vector<16xi32>
      %mul3A_84 = arith.muli %add3A_81, %mul3A_83 : vector<16xi32>
      %add3A_85 = arith.constant 2 : i32
      %add3A_86 = vector.broadcast %add3A_85 : i32 to vector<16xi32>
      %add3A_87 = arith.addi %mul3A_84, %add3A_86 : vector<16xi32>
      %gather3A_88 = tpu.vector_load_idx %arg6[%add3A_87] : memref<16384xf32, #tpu.memory_space<vmem>>[vector<16xi32>], vector<16xf32>,
      %mul3A_89 = arith.constant 16 : i32
      %mul3A_90 = arith.muli %scan3A_44, %mul3A_89 : i32
      %swap3A_91 = arith.constant 2 : i32
      %swap3A_92 = arith.index_cast %swap3A_91 : i32 to index
      %swap3A_93 = arith.index_cast %mul3A_90 : i32 to index
      %swap3A_94 = tpu.vector_load %arg7[%swap3A_92, %swap3A_93] {strides = array<i32>} : memref<8x2048xf32, #tpu.memory_space<vmem>>, vector<16xf32>,
      tpu.vector_store %arg7[%swap3A_92, %swap3A_93], %gather3A_88 {strides = array<i32>} : memref<8x2048xf32, #tpu.memory_space<vmem>>, vector<16xf32>,
      %mul3A_95 = arith.constant 16 : i32
      %mul3A_96 = arith.muli %scan3A_44, %mul3A_95 : i32
      %add3A_97 = vector.broadcast %mul3A_96 : i32 to vector<16xi32>
      %add3A_98 = arith.addi %add3A_97, %iota3A : vector<16xi32>
      %mul3A_99 = arith.constant 8 : i32
      %mul3A_100 = vector.broadcast %mul3A_99 : i32 to vector<16xi32>
      %mul3A_101 = arith.muli %add3A_98, %mul3A_100 : vector<16xi32>
      %add3A_102 = arith.constant 3 : i32
      %add3A_103 = vector.broadcast %add3A_102 : i32 to vector<16xi32>
      %add3A_104 = arith.addi %mul3A_101, %add3A_103 : vector<16xi32>
      %gather3A_105 = tpu.vector_load_idx %arg6[%add3A_104] : memref<16384xf32, #tpu.memory_space<vmem>>[vector<16xi32>], vector<16xf32>,
      %mul3A_106 = arith.constant 16 : i32
      %mul3A_107 = arith.muli %scan3A_44, %mul3A_106 : i32
      %swap3A_108 = arith.constant 3 : i32
      %swap3A_109 = arith.index_cast %swap3A_108 : i32 to index
      %swap3A_110 = arith.index_cast %mul3A_107 : i32 to index
      %swap3A_111 = tpu.vector_load %arg7[%swap3A_109, %swap3A_110] {strides = array<i32>} : memref<8x2048xf32, #tpu.memory_space<vmem>>, vector<16xf32>,
      tpu.vector_store %arg7[%swap3A_109, %swap3A_110], %gather3A_105 {strides = array<i32>} : memref<8x2048xf32, #tpu.memory_space<vmem>>, vector<16xf32>,
      %mul3A_112 = arith.constant 16 : i32
      %mul3A_113 = arith.muli %scan3A_44, %mul3A_112 : i32
      %add3A_114 = vector.broadcast %mul3A_113 : i32 to vector<16xi32>
      %add3A_115 = arith.addi %add3A_114, %iota3A : vector<16xi32>
      %mul3A_116 = arith.constant 8 : i32
      %mul3A_117 = vector.broadcast %mul3A_116 : i32 to vector<16xi32>
      %mul3A_118 = arith.muli %add3A_115, %mul3A_117 : vector<16xi32>
      %add3A_119 = arith.constant 4 : i32
      %add3A_120 = vector.broadcast %add3A_119 : i32 to vector<16xi32>
      %add3A_121 = arith.addi %mul3A_118, %add3A_120 : vector<16xi32>
      %gather3A_122 = tpu.vector_load_idx %arg6[%add3A_121] : memref<16384xf32, #tpu.memory_space<vmem>>[vector<16xi32>], vector<16xf32>,
      %mul3A_123 = arith.constant 16 : i32
      %mul3A_124 = arith.muli %scan3A_44, %mul3A_123 : i32
      %swap3A_125 = arith.constant 4 : i32
      %swap3A_126 = arith.index_cast %swap3A_125 : i32 to index
      %swap3A_127 = arith.index_cast %mul3A_124 : i32 to index
      %swap3A_128 = tpu.vector_load %arg7[%swap3A_126, %swap3A_127] {strides = array<i32>} : memref<8x2048xf32, #tpu.memory_space<vmem>>, vector<16xf32>,
      tpu.vector_store %arg7[%swap3A_126, %swap3A_127], %gather3A_122 {strides = array<i32>} : memref<8x2048xf32, #tpu.memory_space<vmem>>, vector<16xf32>,
      %mul3A_129 = arith.constant 16 : i32
      %mul3A_130 = arith.muli %scan3A_44, %mul3A_129 : i32
      %add3A_131 = vector.broadcast %mul3A_130 : i32 to vector<16xi32>
      %add3A_132 = arith.addi %add3A_131, %iota3A : vector<16xi32>
      %mul3A_133 = arith.constant 8 : i32
      %mul3A_134 = vector.broadcast %mul3A_133 : i32 to vector<16xi32>
      %mul3A_135 = arith.muli %add3A_132, %mul3A_134 : vector<16xi32>
      %add3A_136 = arith.constant 5 : i32
      %add3A_137 = vector.broadcast %add3A_136 : i32 to vector<16xi32>
      %add3A_138 = arith.addi %mul3A_135, %add3A_137 : vector<16xi32>
      %gather3A_139 = tpu.vector_load_idx %arg6[%add3A_138] : memref<16384xf32, #tpu.memory_space<vmem>>[vector<16xi32>], vector<16xf32>,
      %mul3A_140 = arith.constant 16 : i32
      %mul3A_141 = arith.muli %scan3A_44, %mul3A_140 : i32
      %swap3A_142 = arith.constant 5 : i32
      %swap3A_143 = arith.index_cast %swap3A_142 : i32 to index
      %swap3A_144 = arith.index_cast %mul3A_141 : i32 to index
      %swap3A_145 = tpu.vector_load %arg7[%swap3A_143, %swap3A_144] {strides = array<i32>} : memref<8x2048xf32, #tpu.memory_space<vmem>>, vector<16xf32>,
      tpu.vector_store %arg7[%swap3A_143, %swap3A_144], %gather3A_139 {strides = array<i32>} : memref<8x2048xf32, #tpu.memory_space<vmem>>, vector<16xf32>,
      %mul3A_146 = arith.constant 16 : i32
      %mul3A_147 = arith.muli %scan3A_44, %mul3A_146 : i32
      %add3A_148 = vector.broadcast %mul3A_147 : i32 to vector<16xi32>
      %add3A_149 = arith.addi %add3A_148, %iota3A : vector<16xi32>
      %mul3A_150 = arith.constant 8 : i32
      %mul3A_151 = vector.broadcast %mul3A_150 : i32 to vector<16xi32>
      %mul3A_152 = arith.muli %add3A_149, %mul3A_151 : vector<16xi32>
      %add3A_153 = arith.constant 6 : i32
      %add3A_154 = vector.broadcast %add3A_153 : i32 to vector<16xi32>
      %add3A_155 = arith.addi %mul3A_152, %add3A_154 : vector<16xi32>
      %gather3A_156 = tpu.vector_load_idx %arg6[%add3A_155] : memref<16384xf32, #tpu.memory_space<vmem>>[vector<16xi32>], vector<16xf32>,
      %mul3A_157 = arith.constant 16 : i32
      %mul3A_158 = arith.muli %scan3A_44, %mul3A_157 : i32
      %swap3A_159 = arith.constant 6 : i32
      %swap3A_160 = arith.index_cast %swap3A_159 : i32 to index
      %swap3A_161 = arith.index_cast %mul3A_158 : i32 to index
      %swap3A_162 = tpu.vector_load %arg7[%swap3A_160, %swap3A_161] {strides = array<i32>} : memref<8x2048xf32, #tpu.memory_space<vmem>>, vector<16xf32>,
      tpu.vector_store %arg7[%swap3A_160, %swap3A_161], %gather3A_156 {strides = array<i32>} : memref<8x2048xf32, #tpu.memory_space<vmem>>, vector<16xf32>,
      %mul3A_163 = arith.constant 16 : i32
      %mul3A_164 = arith.muli %scan3A_44, %mul3A_163 : i32
      %add3A_165 = vector.broadcast %mul3A_164 : i32 to vector<16xi32>
      %add3A_166 = arith.addi %add3A_165, %iota3A : vector<16xi32>
      %mul3A_167 = arith.constant 8 : i32
      %mul3A_168 = vector.broadcast %mul3A_167 : i32 to vector<16xi32>
      %mul3A_169 = arith.muli %add3A_166, %mul3A_168 : vector<16xi32>
      %add3A_170 = arith.constant 7 : i32
      %add3A_171 = vector.broadcast %add3A_170 : i32 to vector<16xi32>
      %add3A_172 = arith.addi %mul3A_169, %add3A_171 : vector<16xi32>
      %gather3A_173 = tpu.vector_load_idx %arg6[%add3A_172] : memref<16384xf32, #tpu.memory_space<vmem>>[vector<16xi32>], vector<16xf32>,
      %mul3A_174 = arith.constant 16 : i32
      %mul3A_175 = arith.muli %scan3A_44, %mul3A_174 : i32
      %swap3A_176 = arith.constant 7 : i32
      %swap3A_177 = arith.index_cast %swap3A_176 : i32 to index
      %swap3A_178 = arith.index_cast %mul3A_175 : i32 to index
      %swap3A_179 = tpu.vector_load %arg7[%swap3A_177, %swap3A_178] {strides = array<i32>} : memref<8x2048xf32, #tpu.memory_space<vmem>>, vector<16xf32>,
      tpu.vector_store %arg7[%swap3A_177, %swap3A_178], %gather3A_173 {strides = array<i32>} : memref<8x2048xf32, #tpu.memory_space<vmem>>, vector<16xf32>,
      %scan3A_180 = arith.constant 0 : i32
      scf.yield %scan3A_180 : i32
    }
    %scan3A_32 = arith.constant 128 : i32
    %mul3A_33 = arith.constant 8 : i32
    %mul3A_34 = arith.muli %add3A_25, %mul3A_33 : i32
    "tpu.region"() ({
      %run_scoped3A = tpu.sem_alloc : memref<!tpu.dma_semaphore, #tpu.memory_space<semaphore_mem>>
      %dma_start3A = arith.constant 0 : i32
      %dma_start3A_44 = tpu.memref_slice %arg4[%mul3A_34, %dma_start3A] : memref<512x2048xf32, #tpu.memory_space<hbm>> -> memref<8x2048xf32, #tpu.memory_space<hbm>>
      %dma_start3A_45 = arith.constant 0 : i32
      %dma_start3A_46 = tpu.memref_slice %arg4[%mul3A_34, %dma_start3A_45] : memref<512x2048xf32, #tpu.memory_space<hbm>> -> memref<8x2048xf32, #tpu.memory_space<hbm>>
      tpu.enqueue_dma source(%arg7 : memref<8x2048xf32, #tpu.memory_space<vmem>>) target(%dma_start3A_46 : memref<8x2048xf32, #tpu.memory_space<hbm>>) target_semaphore(%run_scoped3A : memref<!tpu.dma_semaphore, #tpu.memory_space<semaphore_mem>>)
      %dma_wait3A = arith.constant 0 : i32
      %dma_wait3A_47 = tpu.memref_slice %arg4[%mul3A_34, %dma_wait3A] : memref<512x2048xf32, #tpu.memory_space<hbm>> -> memref<8x2048xf32, #tpu.memory_space<hbm>>
      %dma_wait3A_48 = arith.constant 0 : i32
      %dma_wait3A_49 = tpu.memref_slice %arg4[%mul3A_34, %dma_wait3A_48] : memref<512x2048xf32, #tpu.memory_space<hbm>> -> memref<8x2048xf32, #tpu.memory_space<hbm>>
      tpu.wait_dma2 semaphore(%run_scoped3A : memref<!tpu.dma_semaphore, #tpu.memory_space<semaphore_mem>>) src(%arg7 : memref<8x2048xf32, #tpu.memory_space<vmem>>) dst(%dma_wait3A_49 : memref<8x2048xf32, #tpu.memory_space<hbm>>)
      tpu.yield
    }) : () -> ()
    "tpu.region"() ({
      %run_scoped3A = tpu.sem_alloc : memref<!tpu.dma_semaphore, #tpu.memory_space<semaphore_mem>>
      %dma_start3A = arith.constant 0 : i32
      %dma_start3A_44 = tpu.memref_slice %arg3[%add3A_25, %dma_start3A] : memref<64x8192xf32, #tpu.memory_space<hbm>> -> memref<1x8192xf32, #tpu.memory_space<hbm>>
      %dma_start3A_45 = tpu.memref_squeeze %dma_start3A_44 : memref<1x8192xf32, #tpu.memory_space<hbm>> -> memref<8192xf32, #tpu.memory_space<hbm>>
      %dma_start3A_46 = arith.constant 0 : i32
      %dma_start3A_47 = tpu.memref_slice %arg3[%add3A_25, %dma_start3A_46] : memref<64x8192xf32, #tpu.memory_space<hbm>> -> memref<1x8192xf32, #tpu.memory_space<hbm>>
      %dma_start3A_48 = tpu.memref_squeeze %dma_start3A_47 : memref<1x8192xf32, #tpu.memory_space<hbm>> -> memref<8192xf32, #tpu.memory_space<hbm>>
      tpu.enqueue_dma source(%dma_start3A_48 : memref<8192xf32, #tpu.memory_space<hbm>>) target(%arg8 : memref<8192xf32, #tpu.memory_space<vmem>>) target_semaphore(%run_scoped3A : memref<!tpu.dma_semaphore, #tpu.memory_space<semaphore_mem>>)
      %dma_wait3A = arith.constant 0 : i32
      %dma_wait3A_49 = tpu.memref_slice %arg3[%add3A_25, %dma_wait3A] : memref<64x8192xf32, #tpu.memory_space<hbm>> -> memref<1x8192xf32, #tpu.memory_space<hbm>>
      %dma_wait3A_50 = tpu.memref_squeeze %dma_wait3A_49 : memref<1x8192xf32, #tpu.memory_space<hbm>> -> memref<8192xf32, #tpu.memory_space<hbm>>
      %dma_wait3A_51 = arith.constant 0 : i32
      %dma_wait3A_52 = tpu.memref_slice %arg3[%add3A_25, %dma_wait3A_51] : memref<64x8192xf32, #tpu.memory_space<hbm>> -> memref<1x8192xf32, #tpu.memory_space<hbm>>
      %dma_wait3A_53 = tpu.memref_squeeze %dma_wait3A_52 : memref<1x8192xf32, #tpu.memory_space<hbm>> -> memref<8192xf32, #tpu.memory_space<hbm>>
      tpu.wait_dma2 semaphore(%run_scoped3A : memref<!tpu.dma_semaphore, #tpu.memory_space<semaphore_mem>>) src(%dma_wait3A_53 : memref<8192xf32, #tpu.memory_space<hbm>>) dst(%arg8 : memref<8192xf32, #tpu.memory_space<vmem>>)
      tpu.yield
    }) : () -> ()
    %scan3A_35 = arith.constant 0 : i32
    %scan3A_36 = arith.constant 0 : i32
    %scan3A_37 = arith.constant 64 : i32
    %scan3A_38 = arith.addi %scan3A_36, %scan3A_37 : i32
    %scan3A_39 = arith.constant 1 : i32
    %scan3A_40 = scf.for %scan3A_44 = %scan3A_36 to %scan3A_38 step %scan3A_39 iter_args(%scan3A_45 = %scan3A_35) -> (i32)  : i32 {
      %mul3A_46 = arith.constant 16 : i32
      %mul3A_47 = arith.muli %scan3A_44, %mul3A_46 : i32
      %add3A_48 = vector.broadcast %mul3A_47 : i32 to vector<16xi32>
      %add3A_49 = arith.addi %add3A_48, %iota3A : vector<16xi32>
      %mul3A_50 = arith.constant 8 : i32
      %mul3A_51 = vector.broadcast %mul3A_50 : i32 to vector<16xi32>
      %mul3A_52 = arith.muli %add3A_49, %mul3A_51 : vector<16xi32>
      %add3A_53 = arith.constant 0 : i32
      %add3A_54 = vector.broadcast %add3A_53 : i32 to vector<16xi32>
      %add3A_55 = arith.addi %mul3A_52, %add3A_54 : vector<16xi32>
      %gather3A = tpu.vector_load_idx %arg8[%add3A_55] : memref<8192xf32, #tpu.memory_space<vmem>>[vector<16xi32>], vector<16xf32>,
      %mul3A_56 = arith.constant 16 : i32
      %mul3A_57 = arith.muli %scan3A_44, %mul3A_56 : i32
      %swap3A = arith.constant 0 : i32
      %swap3A_58 = arith.index_cast %swap3A : i32 to index
      %swap3A_59 = arith.index_cast %mul3A_57 : i32 to index
      %swap3A_60 = tpu.vector_load %arg9[%swap3A_58, %swap3A_59] {strides = array<i32>} : memref<8x1024xf32, #tpu.memory_space<vmem>>, vector<16xf32>,
      tpu.vector_store %arg9[%swap3A_58, %swap3A_59], %gather3A {strides = array<i32>} : memref<8x1024xf32, #tpu.memory_space<vmem>>, vector<16xf32>,
      %mul3A_61 = arith.constant 16 : i32
      %mul3A_62 = arith.muli %scan3A_44, %mul3A_61 : i32
      %add3A_63 = vector.broadcast %mul3A_62 : i32 to vector<16xi32>
      %add3A_64 = arith.addi %add3A_63, %iota3A : vector<16xi32>
      %mul3A_65 = arith.constant 8 : i32
      %mul3A_66 = vector.broadcast %mul3A_65 : i32 to vector<16xi32>
      %mul3A_67 = arith.muli %add3A_64, %mul3A_66 : vector<16xi32>
      %add3A_68 = arith.constant 1 : i32
      %add3A_69 = vector.broadcast %add3A_68 : i32 to vector<16xi32>
      %add3A_70 = arith.addi %mul3A_67, %add3A_69 : vector<16xi32>
      %gather3A_71 = tpu.vector_load_idx %arg8[%add3A_70] : memref<8192xf32, #tpu.memory_space<vmem>>[vector<16xi32>], vector<16xf32>,
      %mul3A_72 = arith.constant 16 : i32
      %mul3A_73 = arith.muli %scan3A_44, %mul3A_72 : i32
      %swap3A_74 = arith.constant 1 : i32
      %swap3A_75 = arith.index_cast %swap3A_74 : i32 to index
      %swap3A_76 = arith.index_cast %mul3A_73 : i32 to index
      %swap3A_77 = tpu.vector_load %arg9[%swap3A_75, %swap3A_76] {strides = array<i32>} : memref<8x1024xf32, #tpu.memory_space<vmem>>, vector<16xf32>,
      tpu.vector_store %arg9[%swap3A_75, %swap3A_76], %gather3A_71 {strides = array<i32>} : memref<8x1024xf32, #tpu.memory_space<vmem>>, vector<16xf32>,
      %mul3A_78 = arith.constant 16 : i32
      %mul3A_79 = arith.muli %scan3A_44, %mul3A_78 : i32
      %add3A_80 = vector.broadcast %mul3A_79 : i32 to vector<16xi32>
      %add3A_81 = arith.addi %add3A_80, %iota3A : vector<16xi32>
      %mul3A_82 = arith.constant 8 : i32
      %mul3A_83 = vector.broadcast %mul3A_82 : i32 to vector<16xi32>
      %mul3A_84 = arith.muli %add3A_81, %mul3A_83 : vector<16xi32>
      %add3A_85 = arith.constant 2 : i32
      %add3A_86 = vector.broadcast %add3A_85 : i32 to vector<16xi32>
      %add3A_87 = arith.addi %mul3A_84, %add3A_86 : vector<16xi32>
      %gather3A_88 = tpu.vector_load_idx %arg8[%add3A_87] : memref<8192xf32, #tpu.memory_space<vmem>>[vector<16xi32>], vector<16xf32>,
      %mul3A_89 = arith.constant 16 : i32
      %mul3A_90 = arith.muli %scan3A_44, %mul3A_89 : i32
      %swap3A_91 = arith.constant 2 : i32
      %swap3A_92 = arith.index_cast %swap3A_91 : i32 to index
      %swap3A_93 = arith.index_cast %mul3A_90 : i32 to index
      %swap3A_94 = tpu.vector_load %arg9[%swap3A_92, %swap3A_93] {strides = array<i32>} : memref<8x1024xf32, #tpu.memory_space<vmem>>, vector<16xf32>,
      tpu.vector_store %arg9[%swap3A_92, %swap3A_93], %gather3A_88 {strides = array<i32>} : memref<8x1024xf32, #tpu.memory_space<vmem>>, vector<16xf32>,
      %mul3A_95 = arith.constant 16 : i32
      %mul3A_96 = arith.muli %scan3A_44, %mul3A_95 : i32
      %add3A_97 = vector.broadcast %mul3A_96 : i32 to vector<16xi32>
      %add3A_98 = arith.addi %add3A_97, %iota3A : vector<16xi32>
      %mul3A_99 = arith.constant 8 : i32
      %mul3A_100 = vector.broadcast %mul3A_99 : i32 to vector<16xi32>
      %mul3A_101 = arith.muli %add3A_98, %mul3A_100 : vector<16xi32>
      %add3A_102 = arith.constant 3 : i32
      %add3A_103 = vector.broadcast %add3A_102 : i32 to vector<16xi32>
      %add3A_104 = arith.addi %mul3A_101, %add3A_103 : vector<16xi32>
      %gather3A_105 = tpu.vector_load_idx %arg8[%add3A_104] : memref<8192xf32, #tpu.memory_space<vmem>>[vector<16xi32>], vector<16xf32>,
      %mul3A_106 = arith.constant 16 : i32
      %mul3A_107 = arith.muli %scan3A_44, %mul3A_106 : i32
      %swap3A_108 = arith.constant 3 : i32
      %swap3A_109 = arith.index_cast %swap3A_108 : i32 to index
      %swap3A_110 = arith.index_cast %mul3A_107 : i32 to index
      %swap3A_111 = tpu.vector_load %arg9[%swap3A_109, %swap3A_110] {strides = array<i32>} : memref<8x1024xf32, #tpu.memory_space<vmem>>, vector<16xf32>,
      tpu.vector_store %arg9[%swap3A_109, %swap3A_110], %gather3A_105 {strides = array<i32>} : memref<8x1024xf32, #tpu.memory_space<vmem>>, vector<16xf32>,
      %mul3A_112 = arith.constant 16 : i32
      %mul3A_113 = arith.muli %scan3A_44, %mul3A_112 : i32
      %add3A_114 = vector.broadcast %mul3A_113 : i32 to vector<16xi32>
      %add3A_115 = arith.addi %add3A_114, %iota3A : vector<16xi32>
      %mul3A_116 = arith.constant 8 : i32
      %mul3A_117 = vector.broadcast %mul3A_116 : i32 to vector<16xi32>
      %mul3A_118 = arith.muli %add3A_115, %mul3A_117 : vector<16xi32>
      %add3A_119 = arith.constant 4 : i32
      %add3A_120 = vector.broadcast %add3A_119 : i32 to vector<16xi32>
      %add3A_121 = arith.addi %mul3A_118, %add3A_120 : vector<16xi32>
      %gather3A_122 = tpu.vector_load_idx %arg8[%add3A_121] : memref<8192xf32, #tpu.memory_space<vmem>>[vector<16xi32>], vector<16xf32>,
      %mul3A_123 = arith.constant 16 : i32
      %mul3A_124 = arith.muli %scan3A_44, %mul3A_123 : i32
      %swap3A_125 = arith.constant 4 : i32
      %swap3A_126 = arith.index_cast %swap3A_125 : i32 to index
      %swap3A_127 = arith.index_cast %mul3A_124 : i32 to index
      %swap3A_128 = tpu.vector_load %arg9[%swap3A_126, %swap3A_127] {strides = array<i32>} : memref<8x1024xf32, #tpu.memory_space<vmem>>, vector<16xf32>,
      tpu.vector_store %arg9[%swap3A_126, %swap3A_127], %gather3A_122 {strides = array<i32>} : memref<8x1024xf32, #tpu.memory_space<vmem>>, vector<16xf32>,
      %mul3A_129 = arith.constant 16 : i32
      %mul3A_130 = arith.muli %scan3A_44, %mul3A_129 : i32
      %add3A_131 = vector.broadcast %mul3A_130 : i32 to vector<16xi32>
      %add3A_132 = arith.addi %add3A_131, %iota3A : vector<16xi32>
      %mul3A_133 = arith.constant 8 : i32
      %mul3A_134 = vector.broadcast %mul3A_133 : i32 to vector<16xi32>
      %mul3A_135 = arith.muli %add3A_132, %mul3A_134 : vector<16xi32>
      %add3A_136 = arith.constant 5 : i32
      %add3A_137 = vector.broadcast %add3A_136 : i32 to vector<16xi32>
      %add3A_138 = arith.addi %mul3A_135, %add3A_137 : vector<16xi32>
      %gather3A_139 = tpu.vector_load_idx %arg8[%add3A_138] : memref<8192xf32, #tpu.memory_space<vmem>>[vector<16xi32>], vector<16xf32>,
      %mul3A_140 = arith.constant 16 : i32
      %mul3A_141 = arith.muli %scan3A_44, %mul3A_140 : i32
      %swap3A_142 = arith.constant 5 : i32
      %swap3A_143 = arith.index_cast %swap3A_142 : i32 to index
      %swap3A_144 = arith.index_cast %mul3A_141 : i32 to index
      %swap3A_145 = tpu.vector_load %arg9[%swap3A_143, %swap3A_144] {strides = array<i32>} : memref<8x1024xf32, #tpu.memory_space<vmem>>, vector<16xf32>,
      tpu.vector_store %arg9[%swap3A_143, %swap3A_144], %gather3A_139 {strides = array<i32>} : memref<8x1024xf32, #tpu.memory_space<vmem>>, vector<16xf32>,
      %mul3A_146 = arith.constant 16 : i32
      %mul3A_147 = arith.muli %scan3A_44, %mul3A_146 : i32
      %add3A_148 = vector.broadcast %mul3A_147 : i32 to vector<16xi32>
      %add3A_149 = arith.addi %add3A_148, %iota3A : vector<16xi32>
      %mul3A_150 = arith.constant 8 : i32
      %mul3A_151 = vector.broadcast %mul3A_150 : i32 to vector<16xi32>
      %mul3A_152 = arith.muli %add3A_149, %mul3A_151 : vector<16xi32>
      %add3A_153 = arith.constant 6 : i32
      %add3A_154 = vector.broadcast %add3A_153 : i32 to vector<16xi32>
      %add3A_155 = arith.addi %mul3A_152, %add3A_154 : vector<16xi32>
      %gather3A_156 = tpu.vector_load_idx %arg8[%add3A_155] : memref<8192xf32, #tpu.memory_space<vmem>>[vector<16xi32>], vector<16xf32>,
      %mul3A_157 = arith.constant 16 : i32
      %mul3A_158 = arith.muli %scan3A_44, %mul3A_157 : i32
      %swap3A_159 = arith.constant 6 : i32
      %swap3A_160 = arith.index_cast %swap3A_159 : i32 to index
      %swap3A_161 = arith.index_cast %mul3A_158 : i32 to index
      %swap3A_162 = tpu.vector_load %arg9[%swap3A_160, %swap3A_161] {strides = array<i32>} : memref<8x1024xf32, #tpu.memory_space<vmem>>, vector<16xf32>,
      tpu.vector_store %arg9[%swap3A_160, %swap3A_161], %gather3A_156 {strides = array<i32>} : memref<8x1024xf32, #tpu.memory_space<vmem>>, vector<16xf32>,
      %mul3A_163 = arith.constant 16 : i32
      %mul3A_164 = arith.muli %scan3A_44, %mul3A_163 : i32
      %add3A_165 = vector.broadcast %mul3A_164 : i32 to vector<16xi32>
      %add3A_166 = arith.addi %add3A_165, %iota3A : vector<16xi32>
      %mul3A_167 = arith.constant 8 : i32
      %mul3A_168 = vector.broadcast %mul3A_167 : i32 to vector<16xi32>
      %mul3A_169 = arith.muli %add3A_166, %mul3A_168 : vector<16xi32>
      %add3A_170 = arith.constant 7 : i32
      %add3A_171 = vector.broadcast %add3A_170 : i32 to vector<16xi32>
      %add3A_172 = arith.addi %mul3A_169, %add3A_171 : vector<16xi32>
      %gather3A_173 = tpu.vector_load_idx %arg8[%add3A_172] : memref<8192xf32, #tpu.memory_space<vmem>>[vector<16xi32>], vector<16xf32>,
      %mul3A_174 = arith.constant 16 : i32
      %mul3A_175 = arith.muli %scan3A_44, %mul3A_174 : i32
      %swap3A_176 = arith.constant 7 : i32
      %swap3A_177 = arith.index_cast %swap3A_176 : i32 to index
      %swap3A_178 = arith.index_cast %mul3A_175 : i32 to index
      %swap3A_179 = tpu.vector_load %arg9[%swap3A_177, %swap3A_178] {strides = array<i32>} : memref<8x1024xf32, #tpu.memory_space<vmem>>, vector<16xf32>,
      tpu.vector_store %arg9[%swap3A_177, %swap3A_178], %gather3A_173 {strides = array<i32>} : memref<8x1024xf32, #tpu.memory_space<vmem>>, vector<16xf32>,
      %scan3A_180 = arith.constant 0 : i32
      scf.yield %scan3A_180 : i32
    }
    %scan3A_41 = arith.constant 64 : i32
    %mul3A_42 = arith.constant 8 : i32
    %mul3A_43 = arith.muli %add3A_25, %mul3A_42 : i32
    "tpu.region"() ({
      %run_scoped3A = tpu.sem_alloc : memref<!tpu.dma_semaphore, #tpu.memory_space<semaphore_mem>>
      %dma_start3A = arith.constant 0 : i32
      %dma_start3A_44 = tpu.memref_slice %arg5[%mul3A_43, %dma_start3A] : memref<512x1024xf32, #tpu.memory_space<hbm>> -> memref<8x1024xf32, #tpu.memory_space<hbm>>
      %dma_start3A_45 = arith.constant 0 : i32
      %dma_start3A_46 = tpu.memref_slice %arg5[%mul3A_43, %dma_start3A_45] : memref<512x1024xf32, #tpu.memory_space<hbm>> -> memref<8x1024xf32, #tpu.memory_space<hbm>>
      tpu.enqueue_dma source(%arg9 : memref<8x1024xf32, #tpu.memory_space<vmem>>) target(%dma_start3A_46 : memref<8x1024xf32, #tpu.memory_space<hbm>>) target_semaphore(%run_scoped3A : memref<!tpu.dma_semaphore, #tpu.memory_space<semaphore_mem>>)
      %dma_wait3A = arith.constant 0 : i32
      %dma_wait3A_47 = tpu.memref_slice %arg5[%mul3A_43, %dma_wait3A] : memref<512x1024xf32, #tpu.memory_space<hbm>> -> memref<8x1024xf32, #tpu.memory_space<hbm>>
      %dma_wait3A_48 = arith.constant 0 : i32
      %dma_wait3A_49 = tpu.memref_slice %arg5[%mul3A_43, %dma_wait3A_48] : memref<512x1024xf32, #tpu.memory_space<hbm>> -> memref<8x1024xf32, #tpu.memory_space<hbm>>
      tpu.wait_dma2 semaphore(%run_scoped3A : memref<!tpu.dma_semaphore, #tpu.memory_space<semaphore_mem>>) src(%arg9 : memref<8x1024xf32, #tpu.memory_space<vmem>>) dst(%dma_wait3A_49 : memref<8x1024xf32, #tpu.memory_space<hbm>>)
      tpu.yield
    }) : () -> ()
    return
  }
}

module attributes {stable_mosaic.version = 14 : i64} {
  func.func @_body(%arg0: i32, %arg1: memref<1x512x1xi32, #tpu.memory_space<vmem>>, %arg2: memref<512x1024xf32, #tpu.memory_space<vmem>>, %arg3: memref<512x2048xf32, #tpu.memory_space<vmem>>, %arg4: memref<512x1024xf32, #tpu.memory_space<vmem>>, %arg5: memref<512x1024xf32, #tpu.memory_space<vmem>>, %arg6: memref<512x2048xf32, #tpu.memory_space<vmem>>, %arg7: memref<512x2048xf32, #tpu.memory_space<vmem>>, %arg8: memref<512x1024xf32, #tpu.memory_space<vmem>>, %arg9: memref<512x1024xf32, #tpu.memory_space<vmem>>, %arg10: memref<1024x512xbf16, #tpu.memory_space<vmem>>, %arg11: memref<2048x512xbf16, #tpu.memory_space<vmem>>, %arg12: memref<512x2048xbf16, #tpu.memory_space<vmem>>, %arg13: memref<512x1024xbf16, #tpu.memory_space<vmem>>) attributes {dimension_semantics = [#tpu.dimension_semantics<arbitrary>], iteration_bounds = array<i64: 4>, scalar_prefetch = 0 : i64, scratch_operands = 4 : i64, tpu.core_type = #tpu.core_type<tc>, window_params = [{transform_indices = @transform_0, window_bounds = array<i64: 1, 512, 1>}, {transform_indices = @transform_1, window_bounds = array<i64: 512, 1024>}, {transform_indices = @transform_2, window_bounds = array<i64: 512, 2048>}, {transform_indices = @transform_3, window_bounds = array<i64: 512, 1024>}, {pipeline_mode = #tpu.pipeline_mode<synchronous>, transform_indices = @transform_4, window_bounds = array<i64: 512, 1024>}, {pipeline_mode = #tpu.pipeline_mode<synchronous>, transform_indices = @transform_5, window_bounds = array<i64: 512, 2048>}, {pipeline_mode = #tpu.pipeline_mode<synchronous>, transform_indices = @transform_6, window_bounds = array<i64: 512, 2048>}, {pipeline_mode = #tpu.pipeline_mode<synchronous>, transform_indices = @transform_7, window_bounds = array<i64: 512, 1024>}, {transform_indices = @transform_8, window_bounds = array<i64: 512, 1024>}]} {
    %eq3A = arith.constant 0 : i32
    %eq3A_0 = arith.cmpi eq, %arg0, %eq3A : i32
    %convert_element_type3A = arith.extui %eq3A_0 : i1 to i32
    %cond3A = arith.constant 0 : i32
    %cond3A_1 = arith.cmpi ne, %convert_element_type3A, %cond3A : i32
    scf.if %cond3A_1 {
      %get3A_53 = arith.constant 0 : index
      %get3A_54 = arith.constant 0 : index
      %get3A_55 = vector.load %arg5[%get3A_53, %get3A_54] : memref<512x1024xf32, #tpu.memory_space<vmem>>, vector<512x1024xf32>
      %convert_element_type3A_56 = arith.truncf %get3A_55 : vector<512x1024xf32> to vector<512x1024xbf16>
      %transpose3A = tpu.transpose %convert_element_type3A_56, [1, 0] : vector<512x1024xbf16> -> vector<1024x512xbf16>
      %swap3A_57 = arith.constant 0 : index
      %swap3A_58 = arith.constant 0 : index
      %swap3A_59 = vector.load %arg10[%swap3A_57, %swap3A_58] : memref<1024x512xbf16, #tpu.memory_space<vmem>>, vector<1024x512xbf16>
      tpu.vector_store %arg10[%swap3A_57, %swap3A_58], %transpose3A {strides = array<i32>} : memref<1024x512xbf16, #tpu.memory_space<vmem>>, vector<1024x512xbf16>,
      %get3A_60 = arith.constant 0 : index
      %get3A_61 = arith.constant 0 : index
      %get3A_62 = vector.load %arg7[%get3A_60, %get3A_61] : memref<512x2048xf32, #tpu.memory_space<vmem>>, vector<512x2048xf32>
      %convert_element_type3A_63 = arith.truncf %get3A_62 : vector<512x2048xf32> to vector<512x2048xbf16>
      %transpose3A_64 = tpu.transpose %convert_element_type3A_63, [1, 0] : vector<512x2048xbf16> -> vector<2048x512xbf16>
      %swap3A_65 = arith.constant 0 : index
      %swap3A_66 = arith.constant 0 : index
      %swap3A_67 = vector.load %arg11[%swap3A_65, %swap3A_66] : memref<2048x512xbf16, #tpu.memory_space<vmem>>, vector<2048x512xbf16>
      tpu.vector_store %arg11[%swap3A_65, %swap3A_66], %transpose3A_64 {strides = array<i32>} : memref<2048x512xbf16, #tpu.memory_space<vmem>>, vector<2048x512xbf16>,
      %get3A_68 = arith.constant 0 : index
      %get3A_69 = arith.constant 0 : index
      %get3A_70 = vector.load %arg6[%get3A_68, %get3A_69] : memref<512x2048xf32, #tpu.memory_space<vmem>>, vector<512x2048xf32>
      %convert_element_type3A_71 = arith.truncf %get3A_70 : vector<512x2048xf32> to vector<512x2048xbf16>
      %swap3A_72 = arith.constant 0 : index
      %swap3A_73 = arith.constant 0 : index
      %swap3A_74 = vector.load %arg12[%swap3A_72, %swap3A_73] : memref<512x2048xbf16, #tpu.memory_space<vmem>>, vector<512x2048xbf16>
      tpu.vector_store %arg12[%swap3A_72, %swap3A_73], %convert_element_type3A_71 {strides = array<i32>} : memref<512x2048xbf16, #tpu.memory_space<vmem>>, vector<512x2048xbf16>,
      %get3A_75 = arith.constant 0 : index
      %get3A_76 = arith.constant 0 : index
      %get3A_77 = vector.load %arg8[%get3A_75, %get3A_76] : memref<512x1024xf32, #tpu.memory_space<vmem>>, vector<512x1024xf32>
      %convert_element_type3A_78 = arith.truncf %get3A_77 : vector<512x1024xf32> to vector<512x1024xbf16>
      %swap3A_79 = arith.constant 0 : index
      %swap3A_80 = arith.constant 0 : index
      %swap3A_81 = vector.load %arg13[%swap3A_79, %swap3A_80] : memref<512x1024xbf16, #tpu.memory_space<vmem>>, vector<512x1024xbf16>
      tpu.vector_store %arg13[%swap3A_79, %swap3A_80], %convert_element_type3A_78 {strides = array<i32>} : memref<512x1024xbf16, #tpu.memory_space<vmem>>, vector<512x1024xbf16>,
    } else {
    }
    %get3A = arith.constant 0 : index
    %get3A_2 = arith.constant 0 : index
    %get3A_3 = arith.constant 0 : index
    %get3A_4 = vector.load %arg1[%get3A, %get3A_2, %get3A_3] : memref<1x512x1xi32, #tpu.memory_space<vmem>>, vector<1x512x1xi32>
    %get3A_5 = vector.shape_cast %get3A_4 : vector<1x512x1xi32> to vector<512x1xi32>
    %iota3A = tpu.iota {dimensions = array<i32: 1>} : vector<512x512xi32>
    %shift_right_arithmetic3A = arith.constant 3 : i32
    %shift_right_arithmetic3A_6 = vector.broadcast %shift_right_arithmetic3A : i32 to vector<512x512xi32>
    %shift_right_arithmetic3A_7 = arith.shrsi %iota3A, %shift_right_arithmetic3A_6 : vector<512x512xi32>
    %eq3A_8 = vector.broadcast %get3A_5 : vector<512x1xi32> to vector<512x512xi32>
    %eq3A_9 = arith.cmpi eq, %shift_right_arithmetic3A_7, %eq3A_8 : vector<512x512xi32>
    %get3A_10 = arith.constant 0 : index
    %get3A_11 = arith.constant 0 : index
    %get3A_12 = vector.load %arg2[%get3A_10, %get3A_11] : memref<512x1024xf32, #tpu.memory_space<vmem>>, vector<512x1024xf32>
    %convert_element_type3A_13 = arith.truncf %get3A_12 : vector<512x1024xf32> to vector<512x1024xbf16>
    %get3A_14 = arith.constant 0 : index
    %get3A_15 = arith.constant 0 : index
    %get3A_16 = vector.load %arg10[%get3A_14, %get3A_15] : memref<1024x512xbf16, #tpu.memory_space<vmem>>, vector<1024x512xbf16>
    %dot_general3A = arith.constant dense<0.000000e+00> : vector<512x512xf32>
    %dot_general3A_17 = tpu.matmul %convert_element_type3A_13, %get3A_16, %dot_general3A {dimension_numbers = #tpu.dot_dimension_numbers<[1], [0], [0], [1], [0, 0, 1, 1], [], []>, transpose_lhs_hint = false} : vector<512x1024xbf16>, vector<1024x512xbf16>, vector<512x512xf32> -> vector<512x512xf32>
    %jit3A = arith.constant 0.000000e+00 : f32
    %broadcast_in_dim3A = vector.broadcast %jit3A : f32 to vector<512x512xf32>
    %select_n3A = arith.select %eq3A_9, %dot_general3A_17, %broadcast_in_dim3A : vector<512x512xi1>, vector<512x512xf32>
    %convert_element_type3A_18 = arith.truncf %select_n3A : vector<512x512xf32> to vector<512x512xbf16>
    %get3A_19 = arith.constant 0 : index
    %get3A_20 = arith.constant 0 : index
    %get3A_21 = vector.load %arg12[%get3A_19, %get3A_20] : memref<512x2048xbf16, #tpu.memory_space<vmem>>, vector<512x2048xbf16>
    %dot_general3A_22 = arith.constant dense<0.000000e+00> : vector<512x2048xf32>
    %dot_general3A_23 = tpu.matmul %convert_element_type3A_18, %get3A_21, %dot_general3A_22 {dimension_numbers = #tpu.dot_dimension_numbers<[1], [0], [0], [1], [0, 0, 1, 1], [], []>, transpose_lhs_hint = false} : vector<512x512xbf16>, vector<512x2048xbf16>, vector<512x2048xf32> -> vector<512x2048xf32>
    %get3A_24 = arith.constant 0 : index
    %get3A_25 = arith.constant 0 : index
    %get3A_26 = vector.load %arg3[%get3A_24, %get3A_25] : memref<512x2048xf32, #tpu.memory_space<vmem>>, vector<512x2048xf32>
    %add3A = arith.addf %get3A_26, %dot_general3A_23 : vector<512x2048xf32>
    %logistic3A = arith.negf %add3A : vector<512x2048xf32>
    %logistic3A_27 = math.exp %logistic3A : vector<512x2048xf32>
    %logistic3A_28 = arith.constant 1.000000e+00 : f32
    %logistic3A_29 = vector.broadcast %logistic3A_28 : f32 to vector<512x2048xf32>
    %logistic3A_30 = arith.addf %logistic3A_29, %logistic3A_27 : vector<512x2048xf32>
    %logistic3A_31 = arith.divf %logistic3A_29, %logistic3A_30 : vector<512x2048xf32>
    %mul3A = arith.mulf %add3A, %logistic3A_31 : vector<512x2048xf32>
    %convert_element_type3A_32 = arith.truncf %mul3A : vector<512x2048xf32> to vector<512x2048xbf16>
    %get3A_33 = arith.constant 0 : index
    %get3A_34 = arith.constant 0 : index
    %get3A_35 = vector.load %arg11[%get3A_33, %get3A_34] : memref<2048x512xbf16, #tpu.memory_space<vmem>>, vector<2048x512xbf16>
    %dot_general3A_36 = arith.constant dense<0.000000e+00> : vector<512x512xf32>
    %dot_general3A_37 = tpu.matmul %convert_element_type3A_32, %get3A_35, %dot_general3A_36 {dimension_numbers = #tpu.dot_dimension_numbers<[1], [0], [0], [1], [0, 0, 1, 1], [], []>, transpose_lhs_hint = false} : vector<512x2048xbf16>, vector<2048x512xbf16>, vector<512x512xf32> -> vector<512x512xf32>
    %jit3A_38 = arith.constant 0.000000e+00 : f32
    %broadcast_in_dim3A_39 = vector.broadcast %jit3A_38 : f32 to vector<512x512xf32>
    %select_n3A_40 = arith.select %eq3A_9, %dot_general3A_37, %broadcast_in_dim3A_39 : vector<512x512xi1>, vector<512x512xf32>
    %convert_element_type3A_41 = arith.truncf %select_n3A_40 : vector<512x512xf32> to vector<512x512xbf16>
    %get3A_42 = arith.constant 0 : index
    %get3A_43 = arith.constant 0 : index
    %get3A_44 = vector.load %arg13[%get3A_42, %get3A_43] : memref<512x1024xbf16, #tpu.memory_space<vmem>>, vector<512x1024xbf16>
    %dot_general3A_45 = arith.constant dense<0.000000e+00> : vector<512x1024xf32>
    %dot_general3A_46 = tpu.matmul %convert_element_type3A_41, %get3A_44, %dot_general3A_45 {dimension_numbers = #tpu.dot_dimension_numbers<[1], [0], [0], [1], [0, 0, 1, 1], [], []>, transpose_lhs_hint = false} : vector<512x512xbf16>, vector<512x1024xbf16>, vector<512x1024xf32> -> vector<512x1024xf32>
    %get3A_47 = arith.constant 0 : index
    %get3A_48 = arith.constant 0 : index
    %get3A_49 = vector.load %arg4[%get3A_47, %get3A_48] : memref<512x1024xf32, #tpu.memory_space<vmem>>, vector<512x1024xf32>
    %add3A_50 = arith.addf %get3A_49, %dot_general3A_46 : vector<512x1024xf32>
    %swap3A = arith.constant 0 : index
    %swap3A_51 = arith.constant 0 : index
    %swap3A_52 = vector.load %arg9[%swap3A, %swap3A_51] : memref<512x1024xf32, #tpu.memory_space<vmem>>, vector<512x1024xf32>
    tpu.vector_store %arg9[%swap3A, %swap3A_51], %add3A_50 {strides = array<i32>} : memref<512x1024xf32, #tpu.memory_space<vmem>>, vector<512x1024xf32>,
    return
  }
  func.func @transform_0(%arg0: i32) -> (i32, i32, i32) {
    %c0_i32 = arith.constant 0 : i32
    %c0_i32_0 = arith.constant 0 : i32
    %c0_i32_1 = arith.constant 0 : i32
    return %arg0, %c0_i32, %c0_i32_0 : i32, i32, i32
  }
  func.func @transform_1(%arg0: i32) -> (i32, i32) {
    %c0_i32 = arith.constant 0 : i32
    %c0_i32_0 = arith.constant 0 : i32
    return %arg0, %c0_i32 : i32, i32
  }
  func.func @transform_2(%arg0: i32) -> (i32, i32) {
    %c0_i32 = arith.constant 0 : i32
    %c0_i32_0 = arith.constant 0 : i32
    return %arg0, %c0_i32 : i32, i32
  }
  func.func @transform_3(%arg0: i32) -> (i32, i32) {
    %c0_i32 = arith.constant 0 : i32
    %c0_i32_0 = arith.constant 0 : i32
    return %arg0, %c0_i32 : i32, i32
  }
  func.func @transform_4(%arg0: i32) -> (i32, i32) {
    %c0_i32 = arith.constant 0 : i32
    %c0_i32_0 = arith.constant 0 : i32
    %c0_i32_1 = arith.constant 0 : i32
    return %c0_i32, %c0_i32_0 : i32, i32
  }
  func.func @transform_5(%arg0: i32) -> (i32, i32) {
    %c0_i32 = arith.constant 0 : i32
    %c0_i32_0 = arith.constant 0 : i32
    %c0_i32_1 = arith.constant 0 : i32
    return %c0_i32, %c0_i32_0 : i32, i32
  }
  func.func @transform_6(%arg0: i32) -> (i32, i32) {
    %c0_i32 = arith.constant 0 : i32
    %c0_i32_0 = arith.constant 0 : i32
    %c0_i32_1 = arith.constant 0 : i32
    return %c0_i32, %c0_i32_0 : i32, i32
  }
  func.func @transform_7(%arg0: i32) -> (i32, i32) {
    %c0_i32 = arith.constant 0 : i32
    %c0_i32_0 = arith.constant 0 : i32
    %c0_i32_1 = arith.constant 0 : i32
    return %c0_i32, %c0_i32_0 : i32, i32
  }
  func.func @transform_8(%arg0: i32) -> (i32, i32) {
    %c0_i32 = arith.constant 0 : i32
    %c0_i32_0 = arith.constant 0 : i32
    return %arg0, %c0_i32 : i32, i32
  }
}

</mosaic_0001>

<sc_bundles>
// kernel: kernel.4.cloned.1.call-start
scs
__scs_entry_jumppad:
0x0: {  	(pc) =	sbr.rel $0x88, $3  }
0x1: {  	(tag) =	ssettag $0x0;
	lr =	simm.s32 $0x1  }
0x2: {  	[smem:$0x3F99] =	sst lr;
	_ =	strace $0xD0000000  }
0x3: {  	_ = 	snop  }
0x4: {  	_ = 	snop  }
0x5: {  	_ = 	snop  }
0x6: {  	_ = 	snop  }
0x7: {  	_ = 	snop  }
__scs_overlays_trampoline_lowered:
0x8: {  	[smem:$0x3FA8] =	sst s0  }
0x9: {  	[smem:$0x3FA9] =	sst s1  }
0xa: {  	[smem:$0x3FAA] =	sst s2  }
0xb: {  	[smem:$0x3FAB] =	sst s3  }
0xc: {  	[smem:$0x3FAC] =	sst s4  }
0xd: {  	[smem:$0x3FAD] =	sst s5  }
0xe: {  	[smem:$0x3FAE] =	sst s6  }
0xf: {  	[smem:$0x3FAF] =	sst s7  }
0x10: {  	[smem:$0x3FB0] =	sst s8  }
0x11: {  	[smem:$0x3FB1] =	sst s9;
	s0 =	simm.s32 @!p0 $0x0  }
0x12: {  	s1 =	sld [smem:$0x3F97];
	s0 =	simm.s32 @p0 $0x1  }
0x13: {  	[smem:$0x3FB2] =	sst s0;
	s0 =	simm.s32 @!p1 $0x0  }
0x14: {  	s2 =	sld [smem:$0x3F96];
	s0 =	simm.s32 @p1 $0x1  }
0x15: {  	[smem:$0x3FB3] =	sst s0;
	s0 =	simm.s32 @!p2 $0x0  }
0x16: {  	s3 =	sld [smem:$0x3FDB];
	s0 =	simm.s32 @p2 $0x1  }
0x17: {  	s4 =	simm.s32 $0x1BF5;
	[smem:$0x3FB5] =	sst s0  }
0x18: {  	s0 =	sld [smem:$0x3F98];
	_ =	swait.ge [sflag:s4], $0x0  }
0x19: {  	s7 =	sld [smem:$0x3F99]  }
0x1a: {  	s8 =	sadd.s32 $0xFFFFE003, lr  }
0x1b: {  	s9 =	sadd.s32 $0xFFFFFEF7, lr;
	s5 =	simm.s32 $0xFFFFFFFF;
	p2 =	slt.u32 s8, $0xFFFFF086  }
0x1c: {  	p1 =	slt.u32 s9, $0xF7A;
	s5 =	simm.s32 @!p2 $0x0  }
0x1d: {  	s5 =	simm.s32 @p1 $0x1;
	p0 =	seq.s32 s7, s2  }
0x1e: {  	s7 =	smul.u32 @!p0 $0xF7A, s2;
	p2 =	seq.s32 @!p0 s5, $0x0  }
0x1f: {  	s9 =	smul.u32 $0xF7A, s1;
	s8 =	simm.s32 @!p0 $0x1BF5;
	p2 =	por !p2, p0  }
0x20: {  	[sflag:s8] =	ssyncset.s32 @!p0 $0xFFFFF086;
	s6 =	sadd.s32 @!p0 s3, s7;
	s7 =	simm.s32 @!p0 $0x108  }
0x21: {  	s3 =	sadd.s32 s3, s9;
	s6 =	sadd.s32 @!p0 $0x88, s6;
	s7 =	simm.s32 @p2 $0x1082  }
0x22: {  	[simem:s7], [sflag:s8] =	dma.local @!p0 [hbm:s6], $0xF7A  }
0x23: {  	s9 =	sor.u32 $0xD0000000, s2;
	s6 =	simm.s32 $0x108;
	_ =	swait.ge @!p0 [sflag:s8], $0x0  }
0x24: {  	s3 =	sadd.s32 $0x88, s3;
	s6 =	simm.s32 @!p1 $0x1082;
	[sflag:s4] =	ssyncset.s32 $0xFFFFF086  }
0x25: {  	[simem:s6], [sflag:s4] =	dma.local [hbm:s3], $0xF7A  }
0x26: {  	[smem:$0x3F99] =	sst s1;
	(tag) =	ssettag s2;
	_ =	strace s9  }
0x27: {  	s1 =	sld [smem:$0x3FA9]  }
0x28: {  	s2 =	sld [smem:$0x3FAA]  }
0x29: {  	s4 =	sld [smem:$0x3FAC]  }
0x2a: {  	p0 =	seq.s32 s5, $0x0;
	s5 =	sld [smem:$0x3FAD]  }
0x2b: {  	s6 =	sld [smem:$0x3FAE]  }
0x2c: {  	s7 =	sld [smem:$0x3FAF]  }
0x2d: {  	s3 =	simm.s32 $0x108;
	s8 =	sld [smem:$0x3FB0]  }
0x2e: {  	s3 =	simm.s32 @!p0 $0x1082;
	s9 =	sld [smem:$0x3FB1]  }
0x2f: {  	lr =	sadd.s32 s0, s3;
	s0 =	sld [smem:$0x3FA8]  }
0x30: {  	s3 =	sld [smem:$0x3FAB]  }
0x31: {  	[smem:$0x3FB4] =	sst s10  }
0x32: {  	s10 =	sld [smem:$0x3FB2];
	_ =	sdelay $0x3  }
0x33: {  	p0 =	seq.s32 s10, $0x1;
	s10 =	sld [smem:$0x3FB4];
	_ =	sdelay $0x3  }
0x34: {  	[smem:$0x3FB4] =	sst s10  }
0x35: {  	s10 =	sld [smem:$0x3FB3];
	_ =	sdelay $0x3  }
0x36: {  	p1 =	seq.s32 s10, $0x1;
	s10 =	sld [smem:$0x3FB4];
	_ =	sdelay $0x3  }
0x37: {  	[smem:$0x3FB4] =	sst s10  }
0x38: {  	s10 =	sld [smem:$0x3FB5]  }
0x39: {  	_ = 	snop;
	(pc) =	sbr.ind lr, $3  }
0x3a: {  	_ = 	snop  }
0x3b: {  	_ = 	snop  }
0x3c: {  	p2 =	seq.s32 s10, $0x1;
	s10 =	sld [smem:$0x3FB4]  }
0x3d: {  	_ =	shalt  }
0x3e: {  	_ =	shalt  }
0x3f: {  	_ =	shalt  }
0x40: {  	_ =	shalt  }
0x41: {  	_ =	shalt  }
0x42: {  	_ =	shalt  }
0x43: {  	_ =	shalt  }
0x44: {  	_ =	shalt  }
0x45: {  	_ =	shalt  }
0x46: {  	_ =	shalt  }
0x47: {  	_ =	shalt  }
0x48: {  	_ =	shalt  }
0x49: {  	_ =	shalt  }
0x4a: {  	_ =	shalt  }
0x4b: {  	_ =	shalt  }
0x4c: {  	_ =	shalt  }
0x4d: {  	_ =	shalt  }
0x4e: {  	_ =	shalt  }
0x4f: {  	_ =	shalt  }
0x50: {  	_ =	shalt  }
0x51: {  	_ =	shalt  }
0x52: {  	_ =	shalt  }
0x53: {  	_ =	shalt  }
0x54: {  	_ =	shalt  }
0x55: {  	_ =	shalt  }
0x56: {  	_ =	shalt  }
0x57: {  	_ =	shalt  }
0x58: {  	_ =	shalt  }
0x59: {  	_ =	shalt  }
0x5a: {  	_ =	shalt  }
0x5b: {  	_ =	shalt  }
0x5c: {  	_ =	shalt  }
0x5d: {  	_ =	shalt  }
0x5e: {  	_ =	shalt  }
0x5f: {  	_ =	shalt  }
0x60: {  	_ =	shalt  }
0x61: {  	_ =	shalt  }
0x62: {  	_ =	shalt  }
0x63: {  	_ =	shalt  }
0x64: {  	_ =	shalt  }
0x65: {  	_ =	shalt  }
0x66: {  	_ =	shalt  }
0x67: {  	_ =	shalt  }
0x68: {  	_ =	shalt  }
0x69: {  	_ =	shalt  }
0x6a: {  	_ =	shalt  }
0x6b: {  	_ =	shalt  }
0x6c: {  	_ =	shalt  }
0x6d: {  	_ =	shalt  }
0x6e: {  	_ =	shalt  }
0x6f: {  	_ =	shalt  }
0x70: {  	_ =	shalt  }
0x71: {  	_ =	shalt  }
0x72: {  	_ =	shalt  }
0x73: {  	_ =	shalt  }
0x74: {  	_ =	shalt  }
0x75: {  	_ =	shalt  }
0x76: {  	_ =	shalt  }
0x77: {  	_ =	shalt  }
0x78: {  	_ =	shalt  }
0x79: {  	_ =	shalt  }
0x7a: {  	_ =	shalt  }
0x7b: {  	_ =	shalt  }
0x7c: {  	_ =	shalt  }
0x7d: {  	_ =	shalt  }
0x7e: {  	_ =	shalt  }
0x7f: {  	_ =	shalt  }
0x80: {  	_ =	shalt  }
0x81: {  	_ =	shalt  }
0x82: {  	_ =	shalt  }
0x83: {  	_ =	shalt  }
0x84: {  	_ =	shalt  }
0x85: {  	_ =	shalt  }
0x86: {  	_ =	shalt  }
0x87: {  	_ =	shalt  }
.Lfunc_end0:
.L_simem_size_0:
called_computation_lowered:
.L_overlay_start_0:
0x88: {  	s2 =	sld [smem:$0x3FD9]  }
0x89: {  	s3 =	sld [smem:$0x3FFE];
	_ =	sdelay $0x1  }
0x8a: {  	s1 =	srdreg.scid  }
0x8b: {  	s0 =	sand.u32 $0x1, s1  }
0x8c: {  	s17 =	sshll.u32 s0, $0xA;
	s2 =	sadd.s32 s3, s2  }
0x8d: {  	s2 =	sadd.s32 s2, s17  }
0x8e: {  	[smem:$0x3FC0] =	sst s2  }
0x8f: {  	_ = 	snop  }
0x90: {  	s2 =	sld [smem:$0x3FD0];
	(tm) =	ssettm $0x1  }
0x91: {  	s18 =	sld [smem:$0x3FFB];
	_ =	sdelay $0x3  }
0x92: {  	_ =	strace s18  }
0x93: {  	s3 =	sld [smem:$0x3FFC];
	_ =	sdelay $0x3  }
0x94: {  	_ =	strace s3  }
0x95: {  	s3 =	sld [smem:$0x3FFD];
	_ =	sdelay $0x3  }
0x96: {  	_ =	strace s3  }
0x97: {  	_ =	strace $0x8FFFFFFF  }
0x98: {  	s19 =	sld [smem:$0x3FDB];
	_ =	sdelay $0x1  }
0x99: {  	s4 =	simm.s32 $_scs_section_size  }
0x9a: {  	s5 =	simm.s32 $_size__tile_overlayer_lowered;
	s6 =	simm.s32 $_tile_overlayer_lowered  }
0x9b: {  	s22 =	simm.s32 $0x1BFF;
	s21 =	sshll.u32 s6, $0x1;
	s3 =	sadd.s32 s4, s19  }
0x9c: {  	s7 =	simm.s32 $0x0;
	s20 =	sshll.u32 s5, $0x1;
	s5 =	sadd.s32 s21, s3  }
0x9d: {  	[timem:s7], [sflag:s22] =	dma.local [hbm:s5], s20  }
0x9e: {  	_ =	swait.ge [sflag:s22], s20  }
0x9f: {  	s4 =	ssub.s32 $0x0, s20;
	[sflag:s22] =	ssyncset.done $0x0  }
0xa0: {  	[sflag:s22] =	ssyncadd.s32 s4;
	_ =	sdelay $0x1  }
0xa1: {  	s23 =	simm.s32 $0x1B8B  }
0xa2: {  	_ =	swait.ge [sflag:s23], $0x1  }
0xa3: {  	[sflag:s23] =	ssyncset.done $0x0  }
0xa4: {  	s25 =	simm.s32 $0x1B8E;
	s24 =	sld [smem:$0x3FFE];
	[sflag:s23] =	ssyncadd.s32 $0xFFFFFFFF  }
0xa5: {  	s26 =	simm.s32 $execute0_lowered;
	[smem:$0x3FD2] =	sst s25  }
0xa6: {  	s5 =	sshll.u32 s26, $0x1;
	_ =	strace $0x80000046;
	[dreg:$0x1] =	wrdreg $0xFFFFFFFF  }
0xa7: {  	s28 =	simm.s32 $_size_execute0_lowered;
	s3 =	sadd.s32 s3, s5;
	[dreg:$0x0] =	wrdreg $0x0  }
0xa8: {  	s5 =	sshll.u32 s28, $0x1;
	[dreg:$0x2] =	wrdreg s3  }
0xa9: {  	[dreg:$0x3] =	wrdreg s5  }
0xaa: {  	[dreg:$0x4] =	wrdreg $0xC0  }
0xab: {  	_ =	task [dreg:s7], $0x5FFFF  }
0xac: {  	[dreg:$0x1] =	wrdreg $0xFFFFFFFF  }
0xad: {  	[dreg:$0x0] =	wrdreg $0x60  }
0xae: {  	[dreg:$0x2] =	wrdreg s2  }
0xaf: {  	[dreg:$0x3] =	wrdreg s24  }
0xb0: {  	[dreg:$0x4] =	wrdreg $0x9  }
0xb1: {  	_ =	task.clear_ibuf [dreg:s7], $0x5FFFF;
	_ =	strace $0x90000046  }
0xb2: {  	s29 =	simm.s32 $0x9;
	_ =	strace $0x80000048  }
0xb3: {  	_ =	swait.ge [sflag:s29], $0x1  }
0xb4: {  	[sflag:s29] =	ssyncadd.s32 $0xFFFFFFFF  }
0xb5: {  	_ =	strace $0x90000048  }
0xb6: {  	_ =	sfence  }
0xb7: {  	s30 =	sld [smem:$0x0];
	_ =	sdelay $0x2  }
0xb8: {  	s31 =	sshll.u32 s1, $0xD;
	s1 =	sshrl.u32 s1, $0x2  }
0xb9: {  	s3 =	sand.u32 $0x4000, s31;
	s1 =	sadd.s32 s1, s30  }
0xba: {  	s0 =	sor.u32 s3, s0;
	s1 =	sshll.u32 s1, $0x11  }
0xbb: {  	s0 =	sor.u32 s1, s0  }
0xbc: {  	s0 =	sadd.s32 $0x8F2B, s0  }
0xbd: {  	[sflag:s0] =	ssyncadd.remote.s32 $0x1  }
0xbe: {  	_ =	sfence.sel $0xFFFF  }
0xbf: {  	[dreg:$0x0] =	wrdreg $0xFFFFFFFF;
	(pc) =	sbr.abs _section_cstart, $3  }
0xc0: {  	[dreg:$0x1] =	wrdreg $0xFFFFFFFF  }
0xc1: {  	_ =	task.clear_ibuf [dreg:s7], $0x2FFFF;
	_ =	strace $0x9FFFFFFF  }
0xc2: {  	(tm) =	ssettm $0x7FFFFFFF  }
0xc3: {  	_ =	shalt  }
tec
execute0_lowered:
.L_overlay_start_1:
0x0: {  	(tag) =	ssettag $0x1  }
0x1: {  	s7 =	rddreg [dreg:$0x0]  }
0x2: {  	s3 =	rddreg [dreg:$0x1]  }
0x3: {  	s0 =	rddreg [dreg:$0x2];
	s2 =	simm.s32 $0x0;
	s4 =	srdreg.scid  }
0x4: {  	s1 =	stileid.u32;
	s16 =	simm.s32 $0x8000;
	s17 =	simm.s32 $0xA000  }
0x5: {  	s18 =	simm.s32 $0x0;
	[smem:$0x7FF] =	sst s2;
	s4 =	sand.u32 $0x1, s4  }
0x6: {  	s5 =	sshll.u32 s1, $0x1;
	s9 =	sadd.s32 $0x1C00, s3;
	s24 =	sshrl.u32 s1, $0x1  }
0x7: {  	s11 =	sadd.s32 $0x11C00, s3;
	s14 =	sadd.s32 $0x31C00, s3;
	_ =	strace $0x80000047  }
0x8: {  	s6 =	sor.u32 s4, s5;
	s4 =	ssub.s32 $0x2, s4;
	s10 =	sshll.u32 s24, $0x11  }
0x9: {  	s26 =	sshll.u32 s24, $0x10;
	s8 =	sshll.u32 s6, $0x8;
	s12 =	sshrl.u32 s4, $0x1  }
0xa: {  	s15 =	sshllo.u32 s6, $0x1;
	s28 =	sshll.u32 s6, $0xC;
	s6 =	sshll.u32 s6, $0xB  }
0xb: {  	s8 =	sand.u32 $0x300, s8;
	s12 =	ssub.s32 s4, s12;
	s29 =	sshll.u32 s15, $0x7  }
0xc: {  	s4 =	sadd.s32 s11, s28;
	s6 =	sadd.s32 s14, s6;
	s30 =	sshll.u32 s15, $0xB  }
0xd: {  	s31 =	sshll.u32 s15, $0xA;
	s15 =	simm.s32 $0x4000;
	s13 =	sor.u32 s10, s8  }
0xe: {  	s5 =	sor.u32 s26, s8;
	s8 =	sand.u32 $0x380, s29;
	s25 =	sshrl.u32 s13, $0x3  }
0xf: {  	s5 =	sshrl.u32 s5, $0x3;
	s10 =	sor.u32 s10, s8;
	s8 =	sor.u32 s26, s8  }
0x10: {  	s3 =	sadd.s32 s7, s25;
	s5 =	sadd.s32 s9, s5;
	s10 =	sshrl.u32 s10, $0x3  }
0x11: {  	s13 =	sshrl.u32 s8, $0x3;
	s8 =	sadd.s32 s11, s30;
	s11 =	smax.u32 s12, $0x1  }
0x12: {  	v0 =	vlaneseq.u32;
	s12 =	simm.s32 $0x80;
	s7 =	sadd.s32 s7, s10;
	s9 =	sadd.s32 s9, s13  }
0x13: {  	v0 =	vmul.u32 $0x8, v0;
	s10 =	sadd.s32 s14, s31;
	s13 =	simm.s32 $0x400;
	s14 =	simm.s32 $0x1  }
.LBB2_1:
0x14: {  	v1 =	vmov s2  }
0x15: {  	v1 =	vshll.u32 v1, $0x3  }
0x16: {  	v1 =	vor.u32 v0, v1  }
0x17: {  	[tilespmem:s2], [sflag:$0x1] =	stream.strided.gather [hbm4b:s3+s12], $0x4000, s13, s12, $0x38;
	[tilespmem:$0xC000] =	vst v63  }
0x18: {  	_ =	swait.ge [sflag:s14], $0x4000  }
0x19: {  	[sflag:s14] =	ssyncset.done $0x0  }
0x1a: {  	[sflag:s14] =	ssyncadd.s32 $0xFFFFC000  }
0x1b: {  	v2 =	vld.idx.msk [tilespmem:v1+s2+$0x0], $0xffff  }
0x1c: {  	v3 =	vor.u32 $0x1, v1;
	_ =	sdelay $0x1  }
0x1d: {  	s19 =	sand.u32 $0x70, s2;
	s20 =	sand.u32 $0x3C00, s2  }
0x1e: {  	s19 =	sor.u32 s19, s20  }
0x1f: {  	[tilespmem:s19+$0x4000] =	vst v2  }
0x20: {  	v2 =	vld.idx.msk [tilespmem:v3+s2+$0x0], $0xffff  }
0x21: {  	v3 =	vor.u32 $0x2, v1;
	_ =	sdelay $0x3  }
0x22: {  	[tilespmem:s19+$0x4080] =	vst v2  }
0x23: {  	v2 =	vld.idx.msk [tilespmem:v3+s2+$0x0], $0xffff  }
0x24: {  	v3 =	vor.u32 $0x3, v1;
	_ =	sdelay $0x3  }
0x25: {  	[tilespmem:s19+$0x4100] =	vst v2  }
0x26: {  	v2 =	vld.idx.msk [tilespmem:v3+s2+$0x0], $0xffff  }
0x27: {  	v3 =	vor.u32 $0x4, v1;
	_ =	sdelay $0x3  }
0x28: {  	[tilespmem:s19+$0x4180] =	vst v2  }
0x29: {  	v2 =	vld.idx.msk [tilespmem:v3+s2+$0x0], $0xffff  }
0x2a: {  	v3 =	vor.u32 $0x5, v1;
	_ =	sdelay $0x3  }
0x2b: {  	[tilespmem:s19+$0x4200] =	vst v2  }
0x2c: {  	v2 =	vld.idx.msk [tilespmem:v3+s2+$0x0], $0xffff  }
0x2d: {  	v3 =	vor.u32 $0x6, v1;
	_ =	sdelay $0x3  }
0x2e: {  	[tilespmem:s19+$0x4280] =	vst v2  }
0x2f: {  	v2 =	vld.idx.msk [tilespmem:v3+s2+$0x0], $0xffff  }
0x30: {  	v1 =	vor.u32 $0x7, v1;
	_ =	sdelay $0x2  }
0x31: {  	s30 =	simm.s32 $0x10  }
0x32: {  	[tilespmem:s19+$0x4300] =	vst v2;
	v2 =	vmov s30  }
0x33: {  	v1 =	vld.idx.msk [tilespmem:v1+s2+$0x0], $0xffff;
	v2 =	vshll.u32 v2, $0x3  }
0x34: {  	s31 =	sand.u32 $0x7, s2;
	v2 =	vor.u32 v0, v2  }
0x35: {  	s19 =	sshll.u32 s31, $0x4  }
0x36: {  	s19 =	sadd.s32 $0x0, s19  }
0x37: {  	s19 =	sor.u32 $0x380, s19  }
0x38: {  	[tilespmem:s19+$0x4000] =	vst v1  }
0x39: {  	v1 =	vld.idx.msk [tilespmem:v2+s2+$0x0], $0xffff  }
0x3a: {  	v3 =	vor.u32 $0x1, v2  }
0x3b: {  	s19 =	simm.s32 $0x80  }
0x3c: {  	s20 =	sand.u32 $0x70, s30;
	s21 =	sand.u32 $0x3C00, s19  }
0x3d: {  	s21 =	sor.u32 s20, s21  }
0x3e: {  	[tilespmem:s21+$0x4000] =	vst v1  }
0x3f: {  	v1 =	vld.idx.msk [tilespmem:v3+s2+$0x0], $0xffff  }
0x40: {  	v3 =	vor.u32 $0x2, v2;
	_ =	sdelay $0x3  }
0x41: {  	[tilespmem:s21+$0x4080] =	vst v1  }
0x42: {  	v1 =	vld.idx.msk [tilespmem:v3+s2+$0x0], $0xffff  }
0x43: {  	v3 =	vor.u32 $0x3, v2;
	_ =	sdelay $0x3  }
0x44: {  	[tilespmem:s21+$0x4100] =	vst v1  }
0x45: {  	v1 =	vld.idx.msk [tilespmem:v3+s2+$0x0], $0xffff  }
0x46: {  	v3 =	vor.u32 $0x4, v2;
	_ =	sdelay $0x3  }
0x47: {  	[tilespmem:s21+$0x4180] =	vst v1  }
0x48: {  	v1 =	vld.idx.msk [tilespmem:v3+s2+$0x0], $0xffff  }
0x49: {  	v3 =	vor.u32 $0x5, v2;
	_ =	sdelay $0x3  }
0x4a: {  	[tilespmem:s21+$0x4200] =	vst v1  }
0x4b: {  	v1 =	vld.idx.msk [tilespmem:v3+s2+$0x0], $0xffff  }
0x4c: {  	v3 =	vor.u32 $0x6, v2;
	_ =	sdelay $0x3  }
0x4d: {  	[tilespmem:s21+$0x4280] =	vst v1  }
0x4e: {  	v1 =	vld.idx.msk [tilespmem:v3+s2+$0x0], $0xffff  }
0x4f: {  	v3 =	vor.u32 $0x7, v2;
	_ =	sdelay $0x3  }
0x50: {  	s20 =	simm.s32 $0x20;
	[tilespmem:s21+$0x4300] =	vst v1  }
0x51: {  	s22 =	simm.s32 $0x30;
	v2 =	vmov s20;
	s21 =	simm.s32 $0x0;
	v1 =	vld.idx.msk [tilespmem:v3+s2+$0x0], $0xffff  }
.LBB2_2:
0x52: {  	p0 =	sne.s32 s22, $0x7F0;
	v2 =	vshll.u32 v2, $0x3;
	s21 =	sadd.s32 $0x1, s21  }
0x53: {  	v2 =	vor.u32 v0, v2;
	s23 =	sand.u32 $0x7, s21  }
0x54: {  	s23 =	sshll.u32 s23, $0x4  }
0x55: {  	s23 =	sadd.s32 s23, s19  }
0x56: {  	s23 =	sor.u32 $0x380, s23  }
0x57: {  	[tilespmem:s23+$0x4000] =	vst v1  }
0x58: {  	v1 =	vld.idx.msk [tilespmem:v2+s2+$0x0], $0xffff;
	_ =	sdelay $0x1  }
0x59: {  	v3 =	vor.u32 $0x1, v2  }
0x5a: {  	s19 =	sadd.s32 $0x80, s19  }
0x5b: {  	s24 =	sand.u32 $0x3C00, s19;
	s23 =	sand.u32 $0x70, s20;
	s20 =	smov.u32 s22  }
0x5c: {  	s23 =	sor.u32 s23, s24  }
0x5d: {  	[tilespmem:s23+$0x4000] =	vst v1  }
0x5e: {  	v1 =	vld.idx.msk [tilespmem:v3+s2+$0x0], $0xffff;
	_ =	sdelay $0x1  }
0x5f: {  	v3 =	vor.u32 $0x2, v2;
	_ =	sdelay $0x3  }
0x60: {  	[tilespmem:s23+$0x4080] =	vst v1  }
0x61: {  	v1 =	vld.idx.msk [tilespmem:v3+s2+$0x0], $0xffff;
	_ =	sdelay $0x1  }
0x62: {  	v3 =	vor.u32 $0x3, v2;
	_ =	sdelay $0x3  }
0x63: {  	[tilespmem:s23+$0x4100] =	vst v1  }
0x64: {  	v1 =	vld.idx.msk [tilespmem:v3+s2+$0x0], $0xffff;
	_ =	sdelay $0x1  }
0x65: {  	v3 =	vor.u32 $0x4, v2;
	_ =	sdelay $0x3  }
0x66: {  	[tilespmem:s23+$0x4180] =	vst v1  }
0x67: {  	v1 =	vld.idx.msk [tilespmem:v3+s2+$0x0], $0xffff;
	_ =	sdelay $0x1  }
0x68: {  	v3 =	vor.u32 $0x5, v2;
	_ =	sdelay $0x3  }
0x69: {  	[tilespmem:s23+$0x4200] =	vst v1  }
0x6a: {  	v1 =	vld.idx.msk [tilespmem:v3+s2+$0x0], $0xffff;
	_ =	sdelay $0x1  }
0x6b: {  	v3 =	vor.u32 $0x6, v2;
	_ =	sdelay $0x3  }
0x6c: {  	[tilespmem:s23+$0x4280] =	vst v1  }
0x6d: {  	v1 =	vld.idx.msk [tilespmem:v3+s2+$0x0], $0xffff;
	_ =	sdelay $0x1  }
0x6e: {  	v3 =	vor.u32 $0x7, v2  }
.Ltmp0:
0x6f: {  	(pc) =	sbr.rel @p0 .LBB2_2-.Ltmp0, $3  }
0x70: {  	_ =	sdelay $0x1  }
0x71: {  	[tilespmem:s23+$0x4300] =	vst v1  }
0x72: {  	s22 =	sadd.s32 $0x10, s22;
	v2 =	vmov s20;
	v1 =	vld.idx.msk [tilespmem:v3+s2+$0x0], $0xffff  }
0x73: {  	v2 =	vshll.u32 v2, $0x3;
	s21 =	sadd.s32 $0x1, s21  }
0x74: {  	v2 =	vor.u32 v0, v2;
	s22 =	sand.u32 $0x7, s21  }
0x75: {  	s22 =	sshll.u32 s22, $0x4  }
0x76: {  	s22 =	sadd.s32 s22, s19  }
0x77: {  	s22 =	sor.u32 $0x380, s22  }
0x78: {  	[tilespmem:s22+$0x4000] =	vst v1  }
0x79: {  	v1 =	vld.idx.msk [tilespmem:v2+s2+$0x0], $0xffff  }
0x7a: {  	v3 =	vor.u32 $0x1, v2  }
0x7b: {  	s26 =	sadd.s32 $0x80, s19  }
0x7c: {  	s20 =	sand.u32 $0x70, s20;
	s28 =	sand.u32 $0x3C00, s26  }
0x7d: {  	s20 =	sor.u32 s20, s28  }
0x7e: {  	[tilespmem:s20+$0x4000] =	vst v1  }
0x7f: {  	v1 =	vld.idx.msk [tilespmem:v3+s2+$0x0], $0xffff  }
0x80: {  	v3 =	vor.u32 $0x2, v2;
	_ =	sdelay $0x3  }
0x81: {  	[tilespmem:s20+$0x4080] =	vst v1  }
0x82: {  	v1 =	vld.idx.msk [tilespmem:v3+s2+$0x0], $0xffff  }
0x83: {  	v3 =	vor.u32 $0x3, v2;
	_ =	sdelay $0x3  }
0x84: {  	[tilespmem:s20+$0x4100] =	vst v1  }
0x85: {  	v1 =	vld.idx.msk [tilespmem:v3+s2+$0x0], $0xffff  }
0x86: {  	v3 =	vor.u32 $0x4, v2;
	_ =	sdelay $0x3  }
0x87: {  	[tilespmem:s20+$0x4180] =	vst v1  }
0x88: {  	v1 =	vld.idx.msk [tilespmem:v3+s2+$0x0], $0xffff  }
0x89: {  	v3 =	vor.u32 $0x5, v2;
	_ =	sdelay $0x3  }
0x8a: {  	[tilespmem:s20+$0x4200] =	vst v1  }
0x8b: {  	v1 =	vld.idx.msk [tilespmem:v3+s2+$0x0], $0xffff  }
0x8c: {  	v3 =	vor.u32 $0x6, v2;
	_ =	sdelay $0x3  }
0x8d: {  	[tilespmem:s20+$0x4280] =	vst v1  }
0x8e: {  	v1 =	vld.idx.msk [tilespmem:v3+s2+$0x0], $0xffff  }
0x8f: {  	v2 =	vor.u32 $0x7, v2;
	_ =	sdelay $0x3  }
0x90: {  	[tilespmem:s20+$0x4300] =	vst v1  }
0x91: {  	s29 =	sadd.s32 $0x1, s21;
	v1 =	vld.idx.msk [tilespmem:v2+s2+$0x0], $0xffff  }
0x92: {  	s20 =	sand.u32 $0x7, s29  }
0x93: {  	s20 =	sshll.u32 s20, $0x4  }
0x94: {  	s19 =	sadd.s32 s20, s26  }
0x95: {  	s19 =	sor.u32 $0x380, s19  }
0x96: {  	[tilespmem:s19+$0x4000] =	vst v1;
	s19 =	simm.s32 $0x0  }
0x97: {  	[hbm4b:s4+s19] =	stream.linear.scatter [tilespmem:s15], [sflag:$0x1], $0x4000, $0x38;
	[tilespmem:$0xC000] =	vst v63  }
0x98: {  	v1 =	vmov s19;
	_ =	swait.ge [sflag:s14], $0x4000  }
0x99: {  	v1 =	vshll.u32 v1, $0x3;
	[sflag:s14] =	ssyncset.done $0x0  }
0x9a: {  	v1 =	vor.u32 v0, v1;
	[sflag:s14] =	ssyncadd.s32 $0xFFFFC000  }
0x9b: {  	[tilespmem:s16], [sflag:$0x1] =	stream.strided.gather [hbm4b:s5+s12], $0x2000, s13, s12, $0x38;
	[tilespmem:$0xC000] =	vst v63  }
0x9c: {  	_ =	swait.ge [sflag:s14], $0x2000  }
0x9d: {  	[sflag:s14] =	ssyncset.done $0x0  }
0x9e: {  	[sflag:s14] =	ssyncadd.s32 $0xFFFFE000  }
0x9f: {  	v2 =	vld.idx.msk [tilespmem:v1+s16+$0x0], $0xffff  }
0xa0: {  	v3 =	vor.u32 $0x1, v1;
	_ =	sdelay $0x1  }
0xa1: {  	s30 =	sand.u32 $0x70, s19;
	s31 =	sand.u32 $0x1C00, s19  }
0xa2: {  	s21 =	sor.u32 s30, s31  }
0xa3: {  	[tilespmem:s21+$0xA000] =	vst v2  }
0xa4: {  	v2 =	vld.idx.msk [tilespmem:v3+s16+$0x0], $0xffff  }
0xa5: {  	v3 =	vor.u32 $0x2, v1;
	_ =	sdelay $0x3  }
0xa6: {  	[tilespmem:s21+$0xA080] =	vst v2  }
0xa7: {  	v2 =	vld.idx.msk [tilespmem:v3+s16+$0x0], $0xffff  }
0xa8: {  	v3 =	vor.u32 $0x3, v1;
	_ =	sdelay $0x3  }
0xa9: {  	[tilespmem:s21+$0xA100] =	vst v2  }
0xaa: {  	v2 =	vld.idx.msk [tilespmem:v3+s16+$0x0], $0xffff  }
0xab: {  	v3 =	vor.u32 $0x4, v1;
	_ =	sdelay $0x3  }
0xac: {  	[tilespmem:s21+$0xA180] =	vst v2  }
0xad: {  	v2 =	vld.idx.msk [tilespmem:v3+s16+$0x0], $0xffff  }
0xae: {  	v3 =	vor.u32 $0x5, v1;
	_ =	sdelay $0x3  }
0xaf: {  	[tilespmem:s21+$0xA200] =	vst v2  }
0xb0: {  	v2 =	vld.idx.msk [tilespmem:v3+s16+$0x0], $0xffff  }
0xb1: {  	v3 =	vor.u32 $0x6, v1;
	_ =	sdelay $0x3  }
0xb2: {  	[tilespmem:s21+$0xA280] =	vst v2  }
0xb3: {  	v2 =	vld.idx.msk [tilespmem:v3+s16+$0x0], $0xffff  }
0xb4: {  	v1 =	vor.u32 $0x7, v1;
	_ =	sdelay $0x3  }
0xb5: {  	s20 =	simm.s32 $0x10;
	[tilespmem:s21+$0xA300] =	vst v2  }
0xb6: {  	s22 =	simm.s32 $0x20;
	v2 =	vmov s20;
	s21 =	simm.s32 $0x0;
	v1 =	vld.idx.msk [tilespmem:v1+s16+$0x0], $0xffff  }
.LBB2_4:
0xb7: {  	p0 =	sne.s32 s22, $0x3F0;
	v2 =	vshll.u32 v2, $0x3  }
0xb8: {  	v2 =	vor.u32 v0, v2;
	_ =	sdelay $0x1  }
0xb9: {  	s23 =	sor.u32 s21, s19;
	s19 =	smov.u32 s20;
	s20 =	smov.u32 s22  }
0xba: {  	s23 =	sor.u32 $0x380, s23  }
0xbb: {  	[tilespmem:s23+$0xA000] =	vst v1  }
0xbc: {  	v1 =	vld.idx.msk [tilespmem:v2+s16+$0x0], $0xffff;
	_ =	sdelay $0x1  }
0xbd: {  	v3 =	vor.u32 $0x1, v2  }
0xbe: {  	s21 =	sadd.s32 $0x80, s21  }
0xbf: {  	s24 =	sand.u32 $0x1C00, s21;
	s23 =	sand.u32 $0x70, s19  }
0xc0: {  	s23 =	sor.u32 s23, s24  }
0xc1: {  	[tilespmem:s23+$0xA000] =	vst v1  }
0xc2: {  	v1 =	vld.idx.msk [tilespmem:v3+s16+$0x0], $0xffff;
	_ =	sdelay $0x1  }
0xc3: {  	v3 =	vor.u32 $0x2, v2;
	_ =	sdelay $0x3  }
0xc4: {  	[tilespmem:s23+$0xA080] =	vst v1  }
0xc5: {  	v1 =	vld.idx.msk [tilespmem:v3+s16+$0x0], $0xffff;
	_ =	sdelay $0x1  }
0xc6: {  	v3 =	vor.u32 $0x3, v2;
	_ =	sdelay $0x3  }
0xc7: {  	[tilespmem:s23+$0xA100] =	vst v1  }
0xc8: {  	v1 =	vld.idx.msk [tilespmem:v3+s16+$0x0], $0xffff;
	_ =	sdelay $0x1  }
0xc9: {  	v3 =	vor.u32 $0x4, v2;
	_ =	sdelay $0x3  }
0xca: {  	[tilespmem:s23+$0xA180] =	vst v1  }
0xcb: {  	v1 =	vld.idx.msk [tilespmem:v3+s16+$0x0], $0xffff;
	_ =	sdelay $0x1  }
0xcc: {  	v3 =	vor.u32 $0x5, v2;
	_ =	sdelay $0x3  }
0xcd: {  	[tilespmem:s23+$0xA200] =	vst v1  }
0xce: {  	v1 =	vld.idx.msk [tilespmem:v3+s16+$0x0], $0xffff;
	_ =	sdelay $0x1  }
0xcf: {  	v3 =	vor.u32 $0x6, v2;
	_ =	sdelay $0x3  }
0xd0: {  	[tilespmem:s23+$0xA280] =	vst v1  }
0xd1: {  	v1 =	vld.idx.msk [tilespmem:v3+s16+$0x0], $0xffff;
	_ =	sdelay $0x1  }
0xd2: {  	v3 =	vor.u32 $0x7, v2  }
.Ltmp1:
0xd3: {  	(pc) =	sbr.rel @p0 .LBB2_4-.Ltmp1, $3  }
0xd4: {  	_ =	sdelay $0x1  }
0xd5: {  	[tilespmem:s23+$0xA300] =	vst v1  }
0xd6: {  	s22 =	sadd.s32 $0x10, s22;
	v2 =	vmov s20;
	v1 =	vld.idx.msk [tilespmem:v3+s16+$0x0], $0xffff  }
0xd7: {  	v2 =	vshll.u32 v2, $0x3  }
0xd8: {  	v2 =	vor.u32 v0, v2;
	_ =	sdelay $0x1  }
0xd9: {  	s19 =	sor.u32 s21, s19  }
0xda: {  	s19 =	sor.u32 $0x380, s19  }
0xdb: {  	[tilespmem:s19+$0xA000] =	vst v1  }
0xdc: {  	v1 =	vld.idx.msk [tilespmem:v2+s16+$0x0], $0xffff  }
0xdd: {  	v3 =	vor.u32 $0x1, v2  }
0xde: {  	s24 =	sadd.s32 $0x80, s21  }
0xdf: {  	s25 =	sand.u32 $0x70, s20;
	s22 =	sand.u32 $0x1C00, s24  }
0xe0: {  	s21 =	sor.u32 s25, s22  }
0xe1: {  	[tilespmem:s21+$0xA000] =	vst v1  }
0xe2: {  	v1 =	vld.idx.msk [tilespmem:v3+s16+$0x0], $0xffff  }
0xe3: {  	v3 =	vor.u32 $0x2, v2;
	_ =	sdelay $0x3  }
0xe4: {  	[tilespmem:s21+$0xA080] =	vst v1  }
0xe5: {  	v1 =	vld.idx.msk [tilespmem:v3+s16+$0x0], $0xffff  }
0xe6: {  	v3 =	vor.u32 $0x3, v2;
	_ =	sdelay $0x3  }
0xe7: {  	[tilespmem:s21+$0xA100] =	vst v1  }
0xe8: {  	v1 =	vld.idx.msk [tilespmem:v3+s16+$0x0], $0xffff  }
0xe9: {  	v3 =	vor.u32 $0x4, v2;
	_ =	sdelay $0x3  }
0xea: {  	[tilespmem:s21+$0xA180] =	vst v1  }
0xeb: {  	v1 =	vld.idx.msk [tilespmem:v3+s16+$0x0], $0xffff  }
0xec: {  	v3 =	vor.u32 $0x5, v2;
	_ =	sdelay $0x3  }
0xed: {  	[tilespmem:s21+$0xA200] =	vst v1  }
0xee: {  	v1 =	vld.idx.msk [tilespmem:v3+s16+$0x0], $0xffff  }
0xef: {  	v3 =	vor.u32 $0x6, v2;
	_ =	sdelay $0x3  }
0xf0: {  	[tilespmem:s21+$0xA280] =	vst v1  }
0xf1: {  	v1 =	vld.idx.msk [tilespmem:v3+s16+$0x0], $0xffff  }
0xf2: {  	v2 =	vor.u32 $0x7, v2;
	_ =	sdelay $0x3  }
0xf3: {  	[tilespmem:s21+$0xA300] =	vst v1  }
0xf4: {  	v1 =	vld.idx.msk [tilespmem:v2+s16+$0x0], $0xffff;
	_ =	sdelay $0x2  }
0xf5: {  	s19 =	sor.u32 s24, s20  }
0xf6: {  	s19 =	sor.u32 $0x380, s19  }
0xf7: {  	[tilespmem:s19+$0xA000] =	vst v1;
	s19 =	simm.s32 $0x0  }
0xf8: {  	[hbm4b:s6+s19] =	stream.linear.scatter [tilespmem:s17], [sflag:$0x1], $0x2000, $0x38;
	[tilespmem:$0xC000] =	vst v63  }
0xf9: {  	v1 =	vmov s19;
	_ =	swait.ge [sflag:s14], $0x2000  }
0xfa: {  	v1 =	vshll.u32 v1, $0x3;
	[sflag:s14] =	ssyncset.done $0x0  }
0xfb: {  	v1 =	vor.u32 v0, v1;
	[sflag:s14] =	ssyncadd.s32 $0xFFFFE000  }
0xfc: {  	[tilespmem:s19], [sflag:$0x1] =	stream.strided.gather [hbm4b:s7+s12], $0x4000, s13, s12, $0x38;
	[tilespmem:$0xC000] =	vst v63  }
0xfd: {  	_ =	swait.ge [sflag:s14], $0x4000  }
0xfe: {  	[sflag:s14] =	ssyncset.done $0x0  }
0xff: {  	[sflag:s14] =	ssyncadd.s32 $0xFFFFC000  }
0x100: {  	v2 =	vld.idx.msk [tilespmem:v1+s2+$0x0], $0xffff  }
0x101: {  	v3 =	vor.u32 $0x1, v1;
	_ =	sdelay $0x1  }
0x102: {  	s26 =	sand.u32 $0x70, s19;
	s28 =	sand.u32 $0x3C00, s19  }
0x103: {  	s20 =	sor.u32 s26, s28  }
0x104: {  	[tilespmem:s20+$0x4000] =	vst v2  }
0x105: {  	v2 =	vld.idx.msk [tilespmem:v3+s2+$0x0], $0xffff  }
0x106: {  	v3 =	vor.u32 $0x2, v1;
	_ =	sdelay $0x3  }
0x107: {  	[tilespmem:s20+$0x4080] =	vst v2  }
0x108: {  	v2 =	vld.idx.msk [tilespmem:v3+s2+$0x0], $0xffff  }
0x109: {  	v3 =	vor.u32 $0x3, v1;
	_ =	sdelay $0x3  }
0x10a: {  	[tilespmem:s20+$0x4100] =	vst v2  }
0x10b: {  	v2 =	vld.idx.msk [tilespmem:v3+s2+$0x0], $0xffff  }
0x10c: {  	v3 =	vor.u32 $0x4, v1;
	_ =	sdelay $0x3  }
0x10d: {  	[tilespmem:s20+$0x4180] =	vst v2  }
0x10e: {  	v2 =	vld.idx.msk [tilespmem:v3+s2+$0x0], $0xffff  }
0x10f: {  	v3 =	vor.u32 $0x5, v1;
	_ =	sdelay $0x3  }
0x110: {  	[tilespmem:s20+$0x4200] =	vst v2  }
0x111: {  	v2 =	vld.idx.msk [tilespmem:v3+s2+$0x0], $0xffff  }
0x112: {  	v3 =	vor.u32 $0x6, v1;
	_ =	sdelay $0x3  }
0x113: {  	[tilespmem:s20+$0x4280] =	vst v2  }
0x114: {  	v2 =	vld.idx.msk [tilespmem:v3+s2+$0x0], $0xffff  }
0x115: {  	v1 =	vor.u32 $0x7, v1;
	_ =	sdelay $0x2  }
0x116: {  	s29 =	simm.s32 $0x10  }
0x117: {  	[tilespmem:s20+$0x4300] =	vst v2;
	v2 =	vmov s29  }
0x118: {  	v1 =	vld.idx.msk [tilespmem:v1+s2+$0x0], $0xffff;
	v2 =	vshll.u32 v2, $0x3  }
0x119: {  	s30 =	sand.u32 $0x7, s19;
	v2 =	vor.u32 v0, v2  }
0x11a: {  	s20 =	sshll.u32 s30, $0x4  }
0x11b: {  	s20 =	sadd.s32 $0x0, s20  }
0x11c: {  	s20 =	sor.u32 $0x380, s20  }
0x11d: {  	[tilespmem:s20+$0x4000] =	vst v1  }
0x11e: {  	v1 =	vld.idx.msk [tilespmem:v2+s2+$0x0], $0xffff  }
0x11f: {  	v3 =	vor.u32 $0x1, v2  }
0x120: {  	s20 =	simm.s32 $0x80  }
0x121: {  	s21 =	sand.u32 $0x70, s29;
	s31 =	sand.u32 $0x3C00, s20  }
0x122: {  	s22 =	sor.u32 s21, s31  }
0x123: {  	[tilespmem:s22+$0x4000] =	vst v1  }
0x124: {  	v1 =	vld.idx.msk [tilespmem:v3+s2+$0x0], $0xffff  }
0x125: {  	v3 =	vor.u32 $0x2, v2;
	_ =	sdelay $0x3  }
0x126: {  	[tilespmem:s22+$0x4080] =	vst v1  }
0x127: {  	v1 =	vld.idx.msk [tilespmem:v3+s2+$0x0], $0xffff  }
0x128: {  	v3 =	vor.u32 $0x3, v2;
	_ =	sdelay $0x3  }
0x129: {  	[tilespmem:s22+$0x4100] =	vst v1  }
0x12a: {  	v1 =	vld.idx.msk [tilespmem:v3+s2+$0x0], $0xffff  }
0x12b: {  	v3 =	vor.u32 $0x4, v2;
	_ =	sdelay $0x3  }
0x12c: {  	[tilespmem:s22+$0x4180] =	vst v1  }
0x12d: {  	v1 =	vld.idx.msk [tilespmem:v3+s2+$0x0], $0xffff  }
0x12e: {  	v3 =	vor.u32 $0x5, v2;
	_ =	sdelay $0x3  }
0x12f: {  	[tilespmem:s22+$0x4200] =	vst v1  }
0x130: {  	v1 =	vld.idx.msk [tilespmem:v3+s2+$0x0], $0xffff  }
0x131: {  	v3 =	vor.u32 $0x6, v2;
	_ =	sdelay $0x3  }
0x132: {  	[tilespmem:s22+$0x4280] =	vst v1  }
0x133: {  	v1 =	vld.idx.msk [tilespmem:v3+s2+$0x0], $0xffff  }
0x134: {  	v3 =	vor.u32 $0x7, v2;
	_ =	sdelay $0x3  }
0x135: {  	s21 =	simm.s32 $0x20;
	[tilespmem:s22+$0x4300] =	vst v1  }
0x136: {  	v2 =	vmov s21;
	s22 =	simm.s32 $0x30;
	v1 =	vld.idx.msk [tilespmem:v3+s2+$0x0], $0xffff  }
.LBB2_6:
0x137: {  	p0 =	sne.s32 s22, $0x7F0;
	v2 =	vshll.u32 v2, $0x3;
	s19 =	sadd.s32 $0x1, s19  }
0x138: {  	v2 =	vor.u32 v0, v2;
	s23 =	sand.u32 $0x7, s19  }
0x139: {  	s23 =	sshll.u32 s23, $0x4  }
0x13a: {  	s23 =	sadd.s32 s23, s20  }
0x13b: {  	s23 =	sor.u32 $0x380, s23  }
0x13c: {  	[tilespmem:s23+$0x4000] =	vst v1  }
0x13d: {  	v1 =	vld.idx.msk [tilespmem:v2+s2+$0x0], $0xffff;
	_ =	sdelay $0x1  }
0x13e: {  	v3 =	vor.u32 $0x1, v2  }
0x13f: {  	s20 =	sadd.s32 $0x80, s20  }
0x140: {  	s24 =	sand.u32 $0x3C00, s20;
	s23 =	sand.u32 $0x70, s21;
	s21 =	smov.u32 s22  }
0x141: {  	s23 =	sor.u32 s23, s24  }
0x142: {  	[tilespmem:s23+$0x4000] =	vst v1  }
0x143: {  	v1 =	vld.idx.msk [tilespmem:v3+s2+$0x0], $0xffff;
	_ =	sdelay $0x1  }
0x144: {  	v3 =	vor.u32 $0x2, v2;
	_ =	sdelay $0x3  }
0x145: {  	[tilespmem:s23+$0x4080] =	vst v1  }
0x146: {  	v1 =	vld.idx.msk [tilespmem:v3+s2+$0x0], $0xffff;
	_ =	sdelay $0x1  }
0x147: {  	v3 =	vor.u32 $0x3, v2;
	_ =	sdelay $0x3  }
0x148: {  	[tilespmem:s23+$0x4100] =	vst v1  }
0x149: {  	v1 =	vld.idx.msk [tilespmem:v3+s2+$0x0], $0xffff;
	_ =	sdelay $0x1  }
0x14a: {  	v3 =	vor.u32 $0x4, v2;
	_ =	sdelay $0x3  }
0x14b: {  	[tilespmem:s23+$0x4180] =	vst v1  }
0x14c: {  	v1 =	vld.idx.msk [tilespmem:v3+s2+$0x0], $0xffff;
	_ =	sdelay $0x1  }
0x14d: {  	v3 =	vor.u32 $0x5, v2;
	_ =	sdelay $0x3  }
0x14e: {  	[tilespmem:s23+$0x4200] =	vst v1  }
0x14f: {  	v1 =	vld.idx.msk [tilespmem:v3+s2+$0x0], $0xffff;
	_ =	sdelay $0x1  }
0x150: {  	v3 =	vor.u32 $0x6, v2;
	_ =	sdelay $0x3  }
0x151: {  	[tilespmem:s23+$0x4280] =	vst v1  }
0x152: {  	v1 =	vld.idx.msk [tilespmem:v3+s2+$0x0], $0xffff;
	_ =	sdelay $0x1  }
0x153: {  	v3 =	vor.u32 $0x7, v2  }
.Ltmp2:
0x154: {  	(pc) =	sbr.rel @p0 .LBB2_6-.Ltmp2, $3  }
0x155: {  	_ =	sdelay $0x1  }
0x156: {  	[tilespmem:s23+$0x4300] =	vst v1  }
0x157: {  	s22 =	sadd.s32 $0x10, s22;
	v2 =	vmov s21;
	v1 =	vld.idx.msk [tilespmem:v3+s2+$0x0], $0xffff  }
0x158: {  	v2 =	vshll.u32 v2, $0x3;
	s19 =	sadd.s32 $0x1, s19  }
0x159: {  	v2 =	vor.u32 v0, v2;
	s22 =	sand.u32 $0x7, s19  }
0x15a: {  	s22 =	sshll.u32 s22, $0x4  }
0x15b: {  	s22 =	sadd.s32 s22, s20  }
0x15c: {  	s22 =	sor.u32 $0x380, s22  }
0x15d: {  	[tilespmem:s22+$0x4000] =	vst v1  }
0x15e: {  	v1 =	vld.idx.msk [tilespmem:v2+s2+$0x0], $0xffff  }
0x15f: {  	v3 =	vor.u32 $0x1, v2  }
0x160: {  	s28 =	sadd.s32 $0x80, s20  }
0x161: {  	s21 =	sand.u32 $0x70, s21;
	s29 =	sand.u32 $0x3C00, s28  }
0x162: {  	s21 =	sor.u32 s21, s29  }
0x163: {  	[tilespmem:s21+$0x4000] =	vst v1  }
0x164: {  	v1 =	vld.idx.msk [tilespmem:v3+s2+$0x0], $0xffff  }
0x165: {  	v3 =	vor.u32 $0x2, v2;
	_ =	sdelay $0x3  }
0x166: {  	[tilespmem:s21+$0x4080] =	vst v1  }
0x167: {  	v1 =	vld.idx.msk [tilespmem:v3+s2+$0x0], $0xffff  }
0x168: {  	v3 =	vor.u32 $0x3, v2;
	_ =	sdelay $0x3  }
0x169: {  	[tilespmem:s21+$0x4100] =	vst v1  }
0x16a: {  	v1 =	vld.idx.msk [tilespmem:v3+s2+$0x0], $0xffff  }
0x16b: {  	v3 =	vor.u32 $0x4, v2;
	_ =	sdelay $0x3  }
0x16c: {  	[tilespmem:s21+$0x4180] =	vst v1  }
0x16d: {  	v1 =	vld.idx.msk [tilespmem:v3+s2+$0x0], $0xffff  }
0x16e: {  	v3 =	vor.u32 $0x5, v2;
	_ =	sdelay $0x3  }
0x16f: {  	[tilespmem:s21+$0x4200] =	vst v1  }
0x170: {  	v1 =	vld.idx.msk [tilespmem:v3+s2+$0x0], $0xffff  }
0x171: {  	v3 =	vor.u32 $0x6, v2;
	_ =	sdelay $0x3  }
0x172: {  	[tilespmem:s21+$0x4280] =	vst v1  }
0x173: {  	v1 =	vld.idx.msk [tilespmem:v3+s2+$0x0], $0xffff  }
0x174: {  	v2 =	vor.u32 $0x7, v2;
	_ =	sdelay $0x3  }
0x175: {  	[tilespmem:s21+$0x4300] =	vst v1  }
0x176: {  	s19 =	sadd.s32 $0x1, s19;
	v1 =	vld.idx.msk [tilespmem:v2+s2+$0x0], $0xffff  }
0x177: {  	s19 =	sand.u32 $0x7, s19  }
0x178: {  	s19 =	sshll.u32 s19, $0x4  }
0x179: {  	s19 =	sadd.s32 s19, s28  }
0x17a: {  	s19 =	sor.u32 $0x380, s19  }
0x17b: {  	[tilespmem:s19+$0x4000] =	vst v1;
	s19 =	simm.s32 $0x0  }
0x17c: {  	[hbm4b:s8+s19] =	stream.linear.scatter [tilespmem:s15], [sflag:$0x1], $0x4000, $0x38;
	[tilespmem:$0xC000] =	vst v63  }
0x17d: {  	v1 =	vmov s19;
	_ =	swait.ge [sflag:s14], $0x4000  }
0x17e: {  	v1 =	vshll.u32 v1, $0x3;
	[sflag:s14] =	ssyncset.done $0x0  }
0x17f: {  	v1 =	vor.u32 v0, v1;
	[sflag:s14] =	ssyncadd.s32 $0xFFFFC000  }
0x180: {  	[tilespmem:s16], [sflag:$0x1] =	stream.strided.gather [hbm4b:s9+s12], $0x2000, s13, s12, $0x38;
	[tilespmem:$0xC000] =	vst v63  }
0x181: {  	_ =	swait.ge [sflag:s14], $0x2000  }
0x182: {  	[sflag:s14] =	ssyncset.done $0x0  }
0x183: {  	[sflag:s14] =	ssyncadd.s32 $0xFFFFE000  }
0x184: {  	v2 =	vld.idx.msk [tilespmem:v1+s16+$0x0], $0xffff  }
0x185: {  	v3 =	vor.u32 $0x1, v1;
	_ =	sdelay $0x1  }
0x186: {  	s30 =	sand.u32 $0x70, s19;
	s31 =	sand.u32 $0x1C00, s19  }
0x187: {  	s21 =	sor.u32 s30, s31  }
0x188: {  	[tilespmem:s21+$0xA000] =	vst v2  }
0x189: {  	v2 =	vld.idx.msk [tilespmem:v3+s16+$0x0], $0xffff  }
0x18a: {  	v3 =	vor.u32 $0x2, v1;
	_ =	sdelay $0x3  }
0x18b: {  	[tilespmem:s21+$0xA080] =	vst v2  }
0x18c: {  	v2 =	vld.idx.msk [tilespmem:v3+s16+$0x0], $0xffff  }
0x18d: {  	v3 =	vor.u32 $0x3, v1;
	_ =	sdelay $0x3  }
0x18e: {  	[tilespmem:s21+$0xA100] =	vst v2  }
0x18f: {  	v2 =	vld.idx.msk [tilespmem:v3+s16+$0x0], $0xffff  }
0x190: {  	v3 =	vor.u32 $0x4, v1;
	_ =	sdelay $0x3  }
0x191: {  	[tilespmem:s21+$0xA180] =	vst v2  }
0x192: {  	v2 =	vld.idx.msk [tilespmem:v3+s16+$0x0], $0xffff  }
0x193: {  	v3 =	vor.u32 $0x5, v1;
	_ =	sdelay $0x3  }
0x194: {  	[tilespmem:s21+$0xA200] =	vst v2  }
0x195: {  	v2 =	vld.idx.msk [tilespmem:v3+s16+$0x0], $0xffff  }
0x196: {  	v3 =	vor.u32 $0x6, v1;
	_ =	sdelay $0x3  }
0x197: {  	[tilespmem:s21+$0xA280] =	vst v2  }
0x198: {  	v2 =	vld.idx.msk [tilespmem:v3+s16+$0x0], $0xffff  }
0x199: {  	v1 =	vor.u32 $0x7, v1;
	_ =	sdelay $0x3  }
0x19a: {  	s20 =	simm.s32 $0x10;
	[tilespmem:s21+$0xA300] =	vst v2  }
0x19b: {  	s22 =	simm.s32 $0x20;
	v2 =	vmov s20;
	s21 =	simm.s32 $0x0;
	v1 =	vld.idx.msk [tilespmem:v1+s16+$0x0], $0xffff  }
.LBB2_8:
0x19c: {  	p0 =	sne.s32 s22, $0x3F0;
	v2 =	vshll.u32 v2, $0x3  }
0x19d: {  	v2 =	vor.u32 v0, v2;
	_ =	sdelay $0x1  }
0x19e: {  	s23 =	sor.u32 s21, s19;
	s19 =	smov.u32 s20;
	s20 =	smov.u32 s22  }
0x19f: {  	s23 =	sor.u32 $0x380, s23  }
0x1a0: {  	[tilespmem:s23+$0xA000] =	vst v1  }
0x1a1: {  	v1 =	vld.idx.msk [tilespmem:v2+s16+$0x0], $0xffff;
	_ =	sdelay $0x1  }
0x1a2: {  	v3 =	vor.u32 $0x1, v2  }
0x1a3: {  	s21 =	sadd.s32 $0x80, s21  }
0x1a4: {  	s24 =	sand.u32 $0x1C00, s21;
	s23 =	sand.u32 $0x70, s19  }
0x1a5: {  	s23 =	sor.u32 s23, s24  }
0x1a6: {  	[tilespmem:s23+$0xA000] =	vst v1  }
0x1a7: {  	v1 =	vld.idx.msk [tilespmem:v3+s16+$0x0], $0xffff;
	_ =	sdelay $0x1  }
0x1a8: {  	v3 =	vor.u32 $0x2, v2;
	_ =	sdelay $0x3  }
0x1a9: {  	[tilespmem:s23+$0xA080] =	vst v1  }
0x1aa: {  	v1 =	vld.idx.msk [tilespmem:v3+s16+$0x0], $0xffff;
	_ =	sdelay $0x1  }
0x1ab: {  	v3 =	vor.u32 $0x3, v2;
	_ =	sdelay $0x3  }
0x1ac: {  	[tilespmem:s23+$0xA100] =	vst v1  }
0x1ad: {  	v1 =	vld.idx.msk [tilespmem:v3+s16+$0x0], $0xffff;
	_ =	sdelay $0x1  }
0x1ae: {  	v3 =	vor.u32 $0x4, v2;
	_ =	sdelay $0x3  }
0x1af: {  	[tilespmem:s23+$0xA180] =	vst v1  }
0x1b0: {  	v1 =	vld.idx.msk [tilespmem:v3+s16+$0x0], $0xffff;
	_ =	sdelay $0x1  }
0x1b1: {  	v3 =	vor.u32 $0x5, v2;
	_ =	sdelay $0x3  }
0x1b2: {  	[tilespmem:s23+$0xA200] =	vst v1  }
0x1b3: {  	v1 =	vld.idx.msk [tilespmem:v3+s16+$0x0], $0xffff;
	_ =	sdelay $0x1  }
0x1b4: {  	v3 =	vor.u32 $0x6, v2;
	_ =	sdelay $0x3  }
0x1b5: {  	[tilespmem:s23+$0xA280] =	vst v1  }
0x1b6: {  	v1 =	vld.idx.msk [tilespmem:v3+s16+$0x0], $0xffff;
	_ =	sdelay $0x1  }
0x1b7: {  	v3 =	vor.u32 $0x7, v2  }
.Ltmp3:
0x1b8: {  	(pc) =	sbr.rel @p0 .LBB2_8-.Ltmp3, $3  }
0x1b9: {  	_ =	sdelay $0x1  }
0x1ba: {  	[tilespmem:s23+$0xA300] =	vst v1  }
0x1bb: {  	s22 =	sadd.s32 $0x10, s22;
	v2 =	vmov s20;
	v1 =	vld.idx.msk [tilespmem:v3+s16+$0x0], $0xffff  }
0x1bc: {  	v2 =	vshll.u32 v2, $0x3  }
0x1bd: {  	v2 =	vor.u32 v0, v2;
	_ =	sdelay $0x1  }
0x1be: {  	s19 =	sor.u32 s21, s19  }
0x1bf: {  	s19 =	sor.u32 $0x380, s19  }
0x1c0: {  	[tilespmem:s19+$0xA000] =	vst v1  }
0x1c1: {  	v1 =	vld.idx.msk [tilespmem:v2+s16+$0x0], $0xffff  }
0x1c2: {  	v3 =	vor.u32 $0x1, v2  }
0x1c3: {  	s30 =	sadd.s32 $0x80, s21  }
0x1c4: {  	s31 =	sand.u32 $0x70, s20;
	s22 =	sand.u32 $0x1C00, s30  }
0x1c5: {  	s21 =	sor.u32 s31, s22  }
0x1c6: {  	[tilespmem:s21+$0xA000] =	vst v1  }
0x1c7: {  	v1 =	vld.idx.msk [tilespmem:v3+s16+$0x0], $0xffff  }
0x1c8: {  	v3 =	vor.u32 $0x2, v2;
	_ =	sdelay $0x3  }
0x1c9: {  	[tilespmem:s21+$0xA080] =	vst v1  }
0x1ca: {  	v1 =	vld.idx.msk [tilespmem:v3+s16+$0x0], $0xffff  }
0x1cb: {  	v3 =	vor.u32 $0x3, v2;
	_ =	sdelay $0x3  }
0x1cc: {  	[tilespmem:s21+$0xA100] =	vst v1  }
0x1cd: {  	v1 =	vld.idx.msk [tilespmem:v3+s16+$0x0], $0xffff  }
0x1ce: {  	v3 =	vor.u32 $0x4, v2;
	_ =	sdelay $0x3  }
0x1cf: {  	[tilespmem:s21+$0xA180] =	vst v1  }
0x1d0: {  	v1 =	vld.idx.msk [tilespmem:v3+s16+$0x0], $0xffff  }
0x1d1: {  	v3 =	vor.u32 $0x5, v2;
	_ =	sdelay $0x3  }
0x1d2: {  	[tilespmem:s21+$0xA200] =	vst v1  }
0x1d3: {  	v1 =	vld.idx.msk [tilespmem:v3+s16+$0x0], $0xffff  }
0x1d4: {  	v3 =	vor.u32 $0x6, v2;
	_ =	sdelay $0x3  }
0x1d5: {  	[tilespmem:s21+$0xA280] =	vst v1  }
0x1d6: {  	v1 =	vld.idx.msk [tilespmem:v3+s16+$0x0], $0xffff  }
0x1d7: {  	v2 =	vor.u32 $0x7, v2;
	_ =	sdelay $0x3  }
0x1d8: {  	[tilespmem:s21+$0xA300] =	vst v1  }
0x1d9: {  	v1 =	vld.idx.msk [tilespmem:v2+s16+$0x0], $0xffff;
	_ =	sdelay $0x2  }
0x1da: {  	s18 =	sadd.s32 $0x1, s18;
	s19 =	sor.u32 s30, s20  }
0x1db: {  	p0 =	sne.s32 s18, s11;
	s19 =	sor.u32 $0x380, s19  }
.Ltmp4:
0x1dc: {  	[tilespmem:s19+$0xA000] =	vst v1;
	(pc) =	sbr.rel @p0 .LBB2_1-.Ltmp4, $4  }
0x1dd: {  	[hbm4b:s10+s2] =	stream.linear.scatter [tilespmem:s17], [sflag:$0x1], $0x2000, $0x38;
	[tilespmem:$0xC000] =	vst v63  }
0x1de: {  	_ =	swait.ge [sflag:s14], $0x2000  }
0x1df: {  	[sflag:s14] =	ssyncset.done $0x0  }
0x1e0: {  	[sflag:s14] =	ssyncadd.s32 $0xFFFFE000  }
0x1e1: {  	_ =	sfence.sel $0x180000  }
0x1e2: {  	[bflag:$0x0] =	sbarrier.arrive $0xFFFF  }
0x1e3: {  	p0 =	sne.s32 s1, $0x0;
	_ =	strace $0x90000047  }
0x1e4: {  	s0 =	sadd.s32 @!p0 $0x100000, s0;
	[bflag:$0x2] =	sbarrier.arrive $0xFFFF  }
0x1e5: {  	[sflag:s0] =	ssyncadd.tile.s32 @!p0 $0x1;
	_ =	shalt  }
.Lfunc_end2:
_tile_overlayer_lowered:
.L_overlay_start_2:
0x1e6: {  	(tag) =	ssettag $0x2  }
0x1e7: {  	s0 =	rddreg [dreg:$0x0];
	s2 =	stileid.u32  }
0x1e8: {  	s1 =	rddreg [dreg:$0x1];
	p0 =	sne.s32 s2, $0x0  }
0x1e9: {  	s3 =	rddreg [dreg:$0x2];
	[bflag:$0x3] =	sbarrier.arrive $0xFFFF;
	s2 =	simm.s32 @!p0 $0x1C01  }
0x1ea: {  	[timem:s3], [sflag:s2] =	dma.local @!p0 [hbm:s0], s1  }
0x1eb: {  	s0 =	simm.s32 @!p0 $0x1  }
0x1ec: {  	_ =	swait.ge @!p0 [sflag:s0], s1  }
0x1ed: {  	s1 =	ssub.s32 @!p0 $0x0, s1;
	[sflag:s0] =	ssyncset.done @!p0 $0x0  }
0x1ee: {  	[sflag:s0] =	ssyncadd.s32 @!p0 s1  }
0x1ef: {  	[bflag:$0x3] =	sbarrier.arrive $0xFFFF  }
0x1f0: {  	_ =	shalt  }

</sc_bundles>
